<compile_context>
chip_gen: v7x
topology: tpu7x:2x2x1
jax: 0.10.2.dev20260603
libtpu: 0.0.44.dev20260713+nightly
codegen_flags: <defaults>
</compile_context>

<pallas_src>
import functools

import jax
import jax.numpy as jnp
from jax import lax
from jax.experimental import pallas as pl
from jax.experimental.pallas import tpu as pltpu
from jax.experimental.pallas import tpu_sc as plsc

N_ROWS = 16384
D = 128
NUM_SLICES = 8
NUM_KEYS = 2 * NUM_SLICES
PENALTY_WEIGHT = 0.1

SC_ROWS = N_ROWS // 4
NC = 2
NS = 16
NW = NC * NS
RPW = SC_ROWS // NW
IDX_CHUNK = 128
NCHUNK = RPW // IDX_CHUNK

_mesh = plsc.VectorSubcoreMesh(
    core_axis_name="c", subcore_axis_name="s", num_cores=NC, num_subcores=NS
)


@functools.partial(
    pl.kernel,
    out_type=jax.ShapeDtypeStruct((NC, NUM_KEYS, D), jnp.float32),
    mesh=_mesh,
    scratch_types=[
        pltpu.VMEM((NCHUNK, IDX_CHUNK, D), jnp.float32),
        pltpu.VMEM((RPW,), jnp.int32),
        pltpu.VMEM((RPW,), jnp.int32),
        pltpu.VMEM((NCHUNK, IDX_CHUNK), jnp.int32),
        pltpu.VMEM((NUM_KEYS, D), jnp.float32),
        pltpu.VMEM_SHARED((NUM_KEYS, D), jnp.float32),
        pltpu.SemaphoreType.DMA,
    ],
)
def _segment_sums(mo_hbm, tg_hbm, ts_hbm, sums_out,
                  rows_v, tg_v, ts_v, keys_v, z_sums, acc_sums, sem0):
    cid = lax.axis_index("c")
    sid = lax.axis_index("s")
    wid = cid * NS + sid
    base = wid * RPW

    copies = []
    for j in range(NCHUNK):
        copies.append(pltpu.async_copy(
            mo_hbm.at[pl.ds(base + j * IDX_CHUNK, IDX_CHUNK)],
            rows_v.at[j], sem0))

    pltpu.sync_copy(tg_hbm.at[pl.ds(base, RPW)], tg_v)
    pltpu.sync_copy(ts_hbm.at[pl.ds(base, RPW)], ts_v)

    zero16 = jnp.zeros((16,), jnp.float32)

    def _zero_row(r, carry):
        for c in range(D // 16):
            z_sums[r, pl.ds(c * 16, 16)] = zero16
        return carry

    lax.fori_loop(0, NUM_KEYS, _zero_row, 0)

    for i in range(RPW // 16):
        k16 = tg_v[pl.ds(i * 16, 16)] * NUM_SLICES + ts_v[pl.ds(i * 16, 16)]
        keys_v[i // (IDX_CHUNK // 16), pl.ds((i % (IDX_CHUNK // 16)) * 16, 16)] = k16

    @pl.when(sid == 0)
    def _():
        pltpu.sync_copy(z_sums, acc_sums)

    plsc.subcore_barrier()

    for j in range(NCHUNK):
        copies[j].wait()
        pltpu.sync_copy(rows_v.at[j], acc_sums.at[keys_v.at[j]], add=True)

    plsc.subcore_barrier()

    @pl.when(sid == 0)
    def _():
        pltpu.sync_copy(acc_sums, sums_out.at[cid])


TC_BLOCK = 4096
TC_GRID = N_ROWS // TC_BLOCK
SC_BLOCKS = SC_ROWS // TC_BLOCK


def _tc_partial_body(mo_ref, tg_ref, ts_ref, out_ref, cnt_ref):
    i = pl.program_id(0)

    @pl.when(i == 0)
    def _():
        out_ref[...] = jnp.zeros((NUM_KEYS, D), jnp.float32)
        cnt_ref[...] = jnp.zeros((NUM_KEYS, D), jnp.float32)

    key = tg_ref[...] * NUM_SLICES + ts_ref[...]
    onehot_t = (key == lax.broadcasted_iota(jnp.int32, (NUM_KEYS, 1), 0))
    onehot_t = onehot_t.astype(jnp.float32)
    cnt_ref[...] += jnp.broadcast_to(
        jnp.sum(onehot_t, axis=1, keepdims=True), (NUM_KEYS, D))

    @pl.when(i >= SC_BLOCKS)
    def _():
        out_ref[...] += lax.dot_general(
            onehot_t, mo_ref[...], (((1,), (0,)), ((), ())),
            preferred_element_type=jnp.float32)


_tc_partial = pl.pallas_call(
    _tc_partial_body,
    grid=(TC_GRID,),
    in_specs=[
        pl.BlockSpec((TC_BLOCK, D), lambda i: (jnp.maximum(i, SC_BLOCKS), 0)),
        pl.BlockSpec((1, TC_BLOCK), lambda i: (0, i)),
        pl.BlockSpec((1, TC_BLOCK), lambda i: (0, i)),
    ],
    out_specs=(pl.BlockSpec((NUM_KEYS, D), lambda i: (0, 0)),
               pl.BlockSpec((NUM_KEYS, D), lambda i: (0, 0))),
    out_shape=(jax.ShapeDtypeStruct((NUM_KEYS, D), jnp.float32),
               jax.ShapeDtypeStruct((NUM_KEYS, D), jnp.float32)),
)


def _finalize_body(sc_ref, tc_ref, tc_cnt_ref, out_ref):
    s = sc_ref[...]
    s16 = s[0] + s[1] + tc_ref[...]
    cnt = tc_cnt_ref[...][:, 0:1]

    neg_cnt, pos_cnt = cnt[:NUM_SLICES], cnt[NUM_SLICES:]
    present = (neg_cnt + pos_cnt > 0).astype(jnp.float32)
    n = jnp.sum(present, axis=(0, 1), keepdims=True)

    inv_n = 1.0 / jnp.maximum(n, 1.0)
    inv_nm1 = 1.0 / jnp.maximum(n - 1.0, 1.0)

    def var_mean(sums, c):
        means = jnp.where(c > 0, sums / jnp.maximum(c, 1.0), 0.0)
        mu = jnp.sum(means * present, axis=0, keepdims=True) * inv_n
        var = jnp.sum(((means - mu) ** 2) * present, axis=0,
                      keepdims=True) * inv_nm1
        return jnp.mean(var, axis=1, keepdims=True)

    penalty = (var_mean(s16[:NUM_SLICES], neg_cnt)
               + var_mean(s16[NUM_SLICES:], pos_cnt)) / 2.0
    penalty = jnp.where(n < 2, 0.0, PENALTY_WEIGHT * penalty)
    out_ref[...] = penalty


_finalize = pl.pallas_call(
    _finalize_body,
    out_shape=jax.ShapeDtypeStruct((1, 1), jnp.float32),
)


def kernel(model_output, targets, time_slices):
    tg = targets.astype(jnp.int32)
    ts = time_slices.astype(jnp.int32)
    tg_row = tg.reshape(1, N_ROWS)
    ts_row = ts.reshape(1, N_ROWS)
    sc_sums = _segment_sums(model_output, tg, ts)
    tc_sums, tc_cnts = _tc_partial(model_output, tg_row, ts_row)
    out = _finalize(sc_sums, tc_sums, tc_cnts)
    return out[0, 0]

# --- scband reference (transcript-rebuilt; emitter-appended) ---
"""Pipeline reference for scband-irmlite-loss-68444598829185 (READ-ONLY COPY).

The authoritative reference and input builder live on the scoring server;
editing this copy changes nothing except your own understanding.
"""

import jax, jax.numpy as jnp
import numpy as np

NUM_SLICES = 8
PENALTY_WEIGHT = 0.1

def setup_inputs(seed: int = 0) -> dict:
    key = jax.random.key(seed)
    k1, k2, k3 = jax.random.split(key, 3)
    model_output = jax.random.normal(k1, (16384, 128), dtype=jnp.float32)
    targets = jax.random.randint(k2, (16384,), 0, 2)
    time_slices = jax.random.randint(k3, (16384,), 0, NUM_SLICES)
    return {"model_output": model_output, "targets": targets, "time_slices": time_slices}

def reference(model_output, targets, time_slices):
    dt = model_output.dtype
    pos_w = (targets == 1).astype(dt)
    neg_w = (targets == 0).astype(dt)
    pos_sum = jax.ops.segment_sum(model_output * pos_w[:, None], time_slices, num_segments=NUM_SLICES)
    neg_sum = jax.ops.segment_sum(model_output * neg_w[:, None], time_slices, num_segments=NUM_SLICES)
    pos_cnt = jax.ops.segment_sum(pos_w, time_slices, num_segments=NUM_SLICES)
    neg_cnt = jax.ops.segment_sum(neg_w, time_slices, num_segments=NUM_SLICES)
    pos_means = jnp.where(pos_cnt[:, None] > 0, pos_sum / jnp.maximum(pos_cnt[:, None], 1.0), 0.0)
    neg_means = jnp.where(neg_cnt[:, None] > 0, neg_sum / jnp.maximum(neg_cnt[:, None], 1.0), 0.0)
    slice_cnt = pos_cnt + neg_cnt
    present = (slice_cnt > 0).astype(dt)
    n = present.sum()
    def var_mean(means):
        mu = (means * present[:, None]).sum(axis=0) / jnp.maximum(n, 1.0)
        var = (((means - mu[None, :]) ** 2) * present[:, None]).sum(axis=0) / jnp.maximum(n - 1.0, 1.0)
        return var.mean()
    penalty = (var_mean(pos_means) + var_mean(neg_means)) / 2.0
    penalty = jnp.where(n < 2, jnp.asarray(0.0, dt), penalty)
    return PENALTY_WEIGHT * penalty

if __name__ == "__main__":
    import jax
    _d = setup_inputs()
    print(jax.jit(kernel)(*tuple(_d.values())))

</pallas_src>

<mosaic_0001>
#map = affine_map<(d0, d1) -> (0, 0)>
#map1 = affine_map<(d0, d1) -> (0)>
#map2 = affine_map<(d0, d1) -> (0, 0, 0)>
module attributes {stable_mosaic.version = 14 : i64} {
  func.func @_segment_sums(%arg0: i32, %arg1: i32, %arg2: memref<16384x128xf32, #tpu.memory_space<hbm>>, %arg3: memref<16384xi32, #tpu.memory_space<hbm>>, %arg4: memref<16384xi32, #tpu.memory_space<hbm>>, %arg5: memref<2x16x128xf32, #tpu.memory_space<hbm>>, %arg6: memref<1x128x128xf32, #tpu.memory_space<vmem>>, %arg7: memref<128xi32, #tpu.memory_space<vmem>>, %arg8: memref<128xi32, #tpu.memory_space<vmem>>, %arg9: memref<1x128xi32, #tpu.memory_space<vmem>>, %arg10: memref<16x128xf32, #tpu.memory_space<vmem>>, %arg11: memref<16x128xf32, #tpu.memory_space<vmem_shared>>, %arg12: memref<!tpu.dma_semaphore, #tpu.memory_space<semaphore_mem>>) attributes {dimension_semantics = [#tpu.dimension_semantics<core_parallel>, #tpu.dimension_semantics<subcore_parallel>], iteration_bounds = array<i64: 2, 16>, scalar_prefetch = 0 : i64, scratch_operands = 7 : i64, tpu.core_type = #tpu.core_type<sc_vector_subcore>, window_params = [{transform_indices = #map}, {transform_indices = #map1}, {transform_indices = #map1}, {transform_indices = #map2}]} {
    %mul3A = arith.constant 16 : i32
    %mul3A_0 = arith.muli %arg0, %mul3A : i32
    %add3A = arith.addi %mul3A_0, %arg1 : i32
    %mul3A_1 = arith.constant 128 : i32
    %mul3A_2 = arith.muli %add3A, %mul3A_1 : i32
    %add3A_3 = arith.constant 0 : i32
    %add3A_4 = arith.addi %mul3A_2, %add3A_3 : i32
    %dma_start3A = arith.constant 0 : i32
    %dma_start3A_5 = arith.constant 0 : i32
    %dma_start3A_6 = arith.constant 0 : i32
    %dma_start3A_7 = tpu.memref_slice %arg6[%dma_start3A, %dma_start3A_5, %dma_start3A_6] : memref<1x128x128xf32, #tpu.memory_space<vmem>> -> memref<1x128x128xf32, #tpu.memory_space<vmem>>
    %dma_start3A_8 = tpu.memref_squeeze %dma_start3A_7 : memref<1x128x128xf32, #tpu.memory_space<vmem>> -> memref<128x128xf32, #tpu.memory_space<vmem>>
    %dma_start3A_9 = arith.constant 0 : i32
    %dma_start3A_10 = tpu.memref_slice %arg2[%add3A_4, %dma_start3A_9] : memref<16384x128xf32, #tpu.memory_space<hbm>> -> memref<128x128xf32, #tpu.memory_space<hbm>>
    %dma_start3A_11 = arith.constant 0 : i32
    %dma_start3A_12 = arith.constant 0 : i32
    %dma_start3A_13 = tpu.memref_slice %arg6[%dma_start3A, %dma_start3A_11, %dma_start3A_12] : memref<1x128x128xf32, #tpu.memory_space<vmem>> -> memref<1x128x128xf32, #tpu.memory_space<vmem>>
    %dma_start3A_14 = tpu.memref_squeeze %dma_start3A_13 : memref<1x128x128xf32, #tpu.memory_space<vmem>> -> memref<128x128xf32, #tpu.memory_space<vmem>>
    %dma_start3A_15 = arith.constant 0 : i32
    %dma_start3A_16 = tpu.memref_slice %arg2[%add3A_4, %dma_start3A_15] : memref<16384x128xf32, #tpu.memory_space<hbm>> -> memref<128x128xf32, #tpu.memory_space<hbm>>
    tpu.enqueue_dma source(%dma_start3A_16 : memref<128x128xf32, #tpu.memory_space<hbm>>) target(%dma_start3A_14 : memref<128x128xf32, #tpu.memory_space<vmem>>) target_semaphore(%arg12 : memref<!tpu.dma_semaphore, #tpu.memory_space<semaphore_mem>>)
    "tpu.region"() ({
      %run_scoped3A_170 = tpu.sem_alloc : memref<!tpu.dma_semaphore, #tpu.memory_space<semaphore_mem>>
      %dma_start3A_171 = tpu.memref_slice %arg3[%mul3A_2] : memref<16384xi32, #tpu.memory_space<hbm>> -> memref<128xi32, #tpu.memory_space<hbm>>
      %dma_start3A_172 = tpu.memref_slice %arg3[%mul3A_2] : memref<16384xi32, #tpu.memory_space<hbm>> -> memref<128xi32, #tpu.memory_space<hbm>>
      tpu.enqueue_dma source(%dma_start3A_172 : memref<128xi32, #tpu.memory_space<hbm>>) target(%arg7 : memref<128xi32, #tpu.memory_space<vmem>>) target_semaphore(%run_scoped3A_170 : memref<!tpu.dma_semaphore, #tpu.memory_space<semaphore_mem>>)
      %dma_wait3A_173 = tpu.memref_slice %arg3[%mul3A_2] : memref<16384xi32, #tpu.memory_space<hbm>> -> memref<128xi32, #tpu.memory_space<hbm>>
      %dma_wait3A_174 = tpu.memref_slice %arg3[%mul3A_2] : memref<16384xi32, #tpu.memory_space<hbm>> -> memref<128xi32, #tpu.memory_space<hbm>>
      tpu.wait_dma2 semaphore(%run_scoped3A_170 : memref<!tpu.dma_semaphore, #tpu.memory_space<semaphore_mem>>) src(%dma_wait3A_174 : memref<128xi32, #tpu.memory_space<hbm>>) dst(%arg7 : memref<128xi32, #tpu.memory_space<vmem>>)
      tpu.yield
    }) : () -> ()
    "tpu.region"() ({
      %run_scoped3A_170 = tpu.sem_alloc : memref<!tpu.dma_semaphore, #tpu.memory_space<semaphore_mem>>
      %dma_start3A_171 = tpu.memref_slice %arg4[%mul3A_2] : memref<16384xi32, #tpu.memory_space<hbm>> -> memref<128xi32, #tpu.memory_space<hbm>>
      %dma_start3A_172 = tpu.memref_slice %arg4[%mul3A_2] : memref<16384xi32, #tpu.memory_space<hbm>> -> memref<128xi32, #tpu.memory_space<hbm>>
      tpu.enqueue_dma source(%dma_start3A_172 : memref<128xi32, #tpu.memory_space<hbm>>) target(%arg8 : memref<128xi32, #tpu.memory_space<vmem>>) target_semaphore(%run_scoped3A_170 : memref<!tpu.dma_semaphore, #tpu.memory_space<semaphore_mem>>)
      %dma_wait3A_173 = tpu.memref_slice %arg4[%mul3A_2] : memref<16384xi32, #tpu.memory_space<hbm>> -> memref<128xi32, #tpu.memory_space<hbm>>
      %dma_wait3A_174 = tpu.memref_slice %arg4[%mul3A_2] : memref<16384xi32, #tpu.memory_space<hbm>> -> memref<128xi32, #tpu.memory_space<hbm>>
      tpu.wait_dma2 semaphore(%run_scoped3A_170 : memref<!tpu.dma_semaphore, #tpu.memory_space<semaphore_mem>>) src(%dma_wait3A_174 : memref<128xi32, #tpu.memory_space<hbm>>) dst(%arg8 : memref<128xi32, #tpu.memory_space<vmem>>)
      tpu.yield
    }) : () -> ()
    %broadcast_in_dim3A = arith.constant 0.000000e+00 : f32
    %broadcast_in_dim3A_17 = vector.broadcast %broadcast_in_dim3A : f32 to vector<16xf32>
    %scan3A = arith.constant 0 : i32
    %scan3A_18 = arith.constant 0 : i32
    %scan3A_19 = arith.constant 16 : i32
    %scan3A_20 = arith.addi %scan3A_18, %scan3A_19 : i32
    %scan3A_21 = arith.constant 1 : i32
    scf.for %scan3A_170 = %scan3A_18 to %scan3A_20 step %scan3A_21  : i32 {
      %swap3A_171 = arith.index_cast %scan3A_170 : i32 to index
      %swap3A_172 = arith.constant 0 : index
      %swap3A_173 = tpu.vector_load %arg10[%swap3A_171, %swap3A_172] {strides = array<i32>} : memref<16x128xf32, #tpu.memory_space<vmem>>, vector<1x16xf32>,
      %swap3A_174 = vector.shape_cast %swap3A_173 : vector<1x16xf32> to vector<16xf32>
      %swap3A_175 = vector.shape_cast %broadcast_in_dim3A_17 : vector<16xf32> to vector<1x16xf32>
      tpu.vector_store %arg10[%swap3A_171, %swap3A_172], %swap3A_175 {strides = array<i32>} : memref<16x128xf32, #tpu.memory_space<vmem>>, vector<1x16xf32>,
      %swap3A_176 = arith.index_cast %scan3A_170 : i32 to index
      %swap3A_177 = arith.constant 16 : index
      %swap3A_178 = tpu.vector_load %arg10[%swap3A_176, %swap3A_177] {strides = array<i32>} : memref<16x128xf32, #tpu.memory_space<vmem>>, vector<1x16xf32>,
      %swap3A_179 = vector.shape_cast %swap3A_178 : vector<1x16xf32> to vector<16xf32>
      %swap3A_180 = vector.shape_cast %broadcast_in_dim3A_17 : vector<16xf32> to vector<1x16xf32>
      tpu.vector_store %arg10[%swap3A_176, %swap3A_177], %swap3A_180 {strides = array<i32>} : memref<16x128xf32, #tpu.memory_space<vmem>>, vector<1x16xf32>,
      %swap3A_181 = arith.index_cast %scan3A_170 : i32 to index
      %swap3A_182 = arith.constant 32 : index
      %swap3A_183 = tpu.vector_load %arg10[%swap3A_181, %swap3A_182] {strides = array<i32>} : memref<16x128xf32, #tpu.memory_space<vmem>>, vector<1x16xf32>,
      %swap3A_184 = vector.shape_cast %swap3A_183 : vector<1x16xf32> to vector<16xf32>
      %swap3A_185 = vector.shape_cast %broadcast_in_dim3A_17 : vector<16xf32> to vector<1x16xf32>
      tpu.vector_store %arg10[%swap3A_181, %swap3A_182], %swap3A_185 {strides = array<i32>} : memref<16x128xf32, #tpu.memory_space<vmem>>, vector<1x16xf32>,
      %swap3A_186 = arith.index_cast %scan3A_170 : i32 to index
      %swap3A_187 = arith.constant 48 : index
      %swap3A_188 = tpu.vector_load %arg10[%swap3A_186, %swap3A_187] {strides = array<i32>} : memref<16x128xf32, #tpu.memory_space<vmem>>, vector<1x16xf32>,
      %swap3A_189 = vector.shape_cast %swap3A_188 : vector<1x16xf32> to vector<16xf32>
      %swap3A_190 = vector.shape_cast %broadcast_in_dim3A_17 : vector<16xf32> to vector<1x16xf32>
      tpu.vector_store %arg10[%swap3A_186, %swap3A_187], %swap3A_190 {strides = array<i32>} : memref<16x128xf32, #tpu.memory_space<vmem>>, vector<1x16xf32>,
      %swap3A_191 = arith.index_cast %scan3A_170 : i32 to index
      %swap3A_192 = arith.constant 64 : index
      %swap3A_193 = tpu.vector_load %arg10[%swap3A_191, %swap3A_192] {strides = array<i32>} : memref<16x128xf32, #tpu.memory_space<vmem>>, vector<1x16xf32>,
      %swap3A_194 = vector.shape_cast %swap3A_193 : vector<1x16xf32> to vector<16xf32>
      %swap3A_195 = vector.shape_cast %broadcast_in_dim3A_17 : vector<16xf32> to vector<1x16xf32>
      tpu.vector_store %arg10[%swap3A_191, %swap3A_192], %swap3A_195 {strides = array<i32>} : memref<16x128xf32, #tpu.memory_space<vmem>>, vector<1x16xf32>,
      %swap3A_196 = arith.index_cast %scan3A_170 : i32 to index
      %swap3A_197 = arith.constant 80 : index
      %swap3A_198 = tpu.vector_load %arg10[%swap3A_196, %swap3A_197] {strides = array<i32>} : memref<16x128xf32, #tpu.memory_space<vmem>>, vector<1x16xf32>,
      %swap3A_199 = vector.shape_cast %swap3A_198 : vector<1x16xf32> to vector<16xf32>
      %swap3A_200 = vector.shape_cast %broadcast_in_dim3A_17 : vector<16xf32> to vector<1x16xf32>
      tpu.vector_store %arg10[%swap3A_196, %swap3A_197], %swap3A_200 {strides = array<i32>} : memref<16x128xf32, #tpu.memory_space<vmem>>, vector<1x16xf32>,
      %swap3A_201 = arith.index_cast %scan3A_170 : i32 to index
      %swap3A_202 = arith.constant 96 : index
      %swap3A_203 = tpu.vector_load %arg10[%swap3A_201, %swap3A_202] {strides = array<i32>} : memref<16x128xf32, #tpu.memory_space<vmem>>, vector<1x16xf32>,
      %swap3A_204 = vector.shape_cast %swap3A_203 : vector<1x16xf32> to vector<16xf32>
      %swap3A_205 = vector.shape_cast %broadcast_in_dim3A_17 : vector<16xf32> to vector<1x16xf32>
      tpu.vector_store %arg10[%swap3A_201, %swap3A_202], %swap3A_205 {strides = array<i32>} : memref<16x128xf32, #tpu.memory_space<vmem>>, vector<1x16xf32>,
      %swap3A_206 = arith.index_cast %scan3A_170 : i32 to index
      %swap3A_207 = arith.constant 112 : index
      %swap3A_208 = tpu.vector_load %arg10[%swap3A_206, %swap3A_207] {strides = array<i32>} : memref<16x128xf32, #tpu.memory_space<vmem>>, vector<1x16xf32>,
      %swap3A_209 = vector.shape_cast %swap3A_208 : vector<1x16xf32> to vector<16xf32>
      %swap3A_210 = vector.shape_cast %broadcast_in_dim3A_17 : vector<16xf32> to vector<1x16xf32>
      tpu.vector_store %arg10[%swap3A_206, %swap3A_207], %swap3A_210 {strides = array<i32>} : memref<16x128xf32, #tpu.memory_space<vmem>>, vector<1x16xf32>,
    }
    %scan3A_22 = arith.constant 16 : i32
    %get3A = arith.constant 0 : index
    %get3A_23 = tpu.vector_load %arg7[%get3A] {strides = array<i32>} : memref<128xi32, #tpu.memory_space<vmem>>, vector<16xi32>,
    %get3A_24 = vector.shape_cast %get3A_23 : vector<16xi32> to vector<16xi32>
    %mul3A_25 = arith.constant 8 : i32
    %mul3A_26 = vector.broadcast %mul3A_25 : i32 to vector<16xi32>
    %mul3A_27 = arith.muli %get3A_24, %mul3A_26 : vector<16xi32>
    %get3A_28 = arith.constant 0 : index
    %get3A_29 = tpu.vector_load %arg8[%get3A_28] {strides = array<i32>} : memref<128xi32, #tpu.memory_space<vmem>>, vector<16xi32>,
    %get3A_30 = vector.shape_cast %get3A_29 : vector<16xi32> to vector<16xi32>
    %add3A_31 = arith.addi %mul3A_27, %get3A_30 : vector<16xi32>
    %swap3A = arith.constant 0 : i32
    %swap3A_32 = arith.index_cast %swap3A : i32 to index
    %swap3A_33 = arith.constant 0 : index
    %swap3A_34 = tpu.vector_load %arg9[%swap3A_32, %swap3A_33] {strides = array<i32>} : memref<1x128xi32, #tpu.memory_space<vmem>>, vector<1x16xi32>,
    %swap3A_35 = vector.shape_cast %swap3A_34 : vector<1x16xi32> to vector<16xi32>
    %swap3A_36 = vector.shape_cast %add3A_31 : vector<16xi32> to vector<1x16xi32>
    tpu.vector_store %arg9[%swap3A_32, %swap3A_33], %swap3A_36 {strides = array<i32>} : memref<1x128xi32, #tpu.memory_space<vmem>>, vector<1x16xi32>,
    %get3A_37 = arith.constant 16 : index
    %get3A_38 = tpu.vector_load %arg7[%get3A_37] {strides = array<i32>} : memref<128xi32, #tpu.memory_space<vmem>>, vector<16xi32>,
    %get3A_39 = vector.shape_cast %get3A_38 : vector<16xi32> to vector<16xi32>
    %mul3A_40 = arith.constant 8 : i32
    %mul3A_41 = vector.broadcast %mul3A_40 : i32 to vector<16xi32>
    %mul3A_42 = arith.muli %get3A_39, %mul3A_41 : vector<16xi32>
    %get3A_43 = arith.constant 16 : index
    %get3A_44 = tpu.vector_load %arg8[%get3A_43] {strides = array<i32>} : memref<128xi32, #tpu.memory_space<vmem>>, vector<16xi32>,
    %get3A_45 = vector.shape_cast %get3A_44 : vector<16xi32> to vector<16xi32>
    %add3A_46 = arith.addi %mul3A_42, %get3A_45 : vector<16xi32>
    %swap3A_47 = arith.constant 0 : i32
    %swap3A_48 = arith.index_cast %swap3A_47 : i32 to index
    %swap3A_49 = arith.constant 16 : index
    %swap3A_50 = tpu.vector_load %arg9[%swap3A_48, %swap3A_49] {strides = array<i32>} : memref<1x128xi32, #tpu.memory_space<vmem>>, vector<1x16xi32>,
    %swap3A_51 = vector.shape_cast %swap3A_50 : vector<1x16xi32> to vector<16xi32>
    %swap3A_52 = vector.shape_cast %add3A_46 : vector<16xi32> to vector<1x16xi32>
    tpu.vector_store %arg9[%swap3A_48, %swap3A_49], %swap3A_52 {strides = array<i32>} : memref<1x128xi32, #tpu.memory_space<vmem>>, vector<1x16xi32>,
    %get3A_53 = arith.constant 32 : index
    %get3A_54 = tpu.vector_load %arg7[%get3A_53] {strides = array<i32>} : memref<128xi32, #tpu.memory_space<vmem>>, vector<16xi32>,
    %get3A_55 = vector.shape_cast %get3A_54 : vector<16xi32> to vector<16xi32>
    %mul3A_56 = arith.constant 8 : i32
    %mul3A_57 = vector.broadcast %mul3A_56 : i32 to vector<16xi32>
    %mul3A_58 = arith.muli %get3A_55, %mul3A_57 : vector<16xi32>
    %get3A_59 = arith.constant 32 : index
    %get3A_60 = tpu.vector_load %arg8[%get3A_59] {strides = array<i32>} : memref<128xi32, #tpu.memory_space<vmem>>, vector<16xi32>,
    %get3A_61 = vector.shape_cast %get3A_60 : vector<16xi32> to vector<16xi32>
    %add3A_62 = arith.addi %mul3A_58, %get3A_61 : vector<16xi32>
    %swap3A_63 = arith.constant 0 : i32
    %swap3A_64 = arith.index_cast %swap3A_63 : i32 to index
    %swap3A_65 = arith.constant 32 : index
    %swap3A_66 = tpu.vector_load %arg9[%swap3A_64, %swap3A_65] {strides = array<i32>} : memref<1x128xi32, #tpu.memory_space<vmem>>, vector<1x16xi32>,
    %swap3A_67 = vector.shape_cast %swap3A_66 : vector<1x16xi32> to vector<16xi32>
    %swap3A_68 = vector.shape_cast %add3A_62 : vector<16xi32> to vector<1x16xi32>
    tpu.vector_store %arg9[%swap3A_64, %swap3A_65], %swap3A_68 {strides = array<i32>} : memref<1x128xi32, #tpu.memory_space<vmem>>, vector<1x16xi32>,
    %get3A_69 = arith.constant 48 : index
    %get3A_70 = tpu.vector_load %arg7[%get3A_69] {strides = array<i32>} : memref<128xi32, #tpu.memory_space<vmem>>, vector<16xi32>,
    %get3A_71 = vector.shape_cast %get3A_70 : vector<16xi32> to vector<16xi32>
    %mul3A_72 = arith.constant 8 : i32
    %mul3A_73 = vector.broadcast %mul3A_72 : i32 to vector<16xi32>
    %mul3A_74 = arith.muli %get3A_71, %mul3A_73 : vector<16xi32>
    %get3A_75 = arith.constant 48 : index
    %get3A_76 = tpu.vector_load %arg8[%get3A_75] {strides = array<i32>} : memref<128xi32, #tpu.memory_space<vmem>>, vector<16xi32>,
    %get3A_77 = vector.shape_cast %get3A_76 : vector<16xi32> to vector<16xi32>
    %add3A_78 = arith.addi %mul3A_74, %get3A_77 : vector<16xi32>
    %swap3A_79 = arith.constant 0 : i32
    %swap3A_80 = arith.index_cast %swap3A_79 : i32 to index
    %swap3A_81 = arith.constant 48 : index
    %swap3A_82 = tpu.vector_load %arg9[%swap3A_80, %swap3A_81] {strides = array<i32>} : memref<1x128xi32, #tpu.memory_space<vmem>>, vector<1x16xi32>,
    %swap3A_83 = vector.shape_cast %swap3A_82 : vector<1x16xi32> to vector<16xi32>
    %swap3A_84 = vector.shape_cast %add3A_78 : vector<16xi32> to vector<1x16xi32>
    tpu.vector_store %arg9[%swap3A_80, %swap3A_81], %swap3A_84 {strides = array<i32>} : memref<1x128xi32, #tpu.memory_space<vmem>>, vector<1x16xi32>,
    %get3A_85 = arith.constant 64 : index
    %get3A_86 = tpu.vector_load %arg7[%get3A_85] {strides = array<i32>} : memref<128xi32, #tpu.memory_space<vmem>>, vector<16xi32>,
    %get3A_87 = vector.shape_cast %get3A_86 : vector<16xi32> to vector<16xi32>
    %mul3A_88 = arith.constant 8 : i32
    %mul3A_89 = vector.broadcast %mul3A_88 : i32 to vector<16xi32>
    %mul3A_90 = arith.muli %get3A_87, %mul3A_89 : vector<16xi32>
    %get3A_91 = arith.constant 64 : index
    %get3A_92 = tpu.vector_load %arg8[%get3A_91] {strides = array<i32>} : memref<128xi32, #tpu.memory_space<vmem>>, vector<16xi32>,
    %get3A_93 = vector.shape_cast %get3A_92 : vector<16xi32> to vector<16xi32>
    %add3A_94 = arith.addi %mul3A_90, %get3A_93 : vector<16xi32>
    %swap3A_95 = arith.constant 0 : i32
    %swap3A_96 = arith.index_cast %swap3A_95 : i32 to index
    %swap3A_97 = arith.constant 64 : index
    %swap3A_98 = tpu.vector_load %arg9[%swap3A_96, %swap3A_97] {strides = array<i32>} : memref<1x128xi32, #tpu.memory_space<vmem>>, vector<1x16xi32>,
    %swap3A_99 = vector.shape_cast %swap3A_98 : vector<1x16xi32> to vector<16xi32>
    %swap3A_100 = vector.shape_cast %add3A_94 : vector<16xi32> to vector<1x16xi32>
    tpu.vector_store %arg9[%swap3A_96, %swap3A_97], %swap3A_100 {strides = array<i32>} : memref<1x128xi32, #tpu.memory_space<vmem>>, vector<1x16xi32>,
    %get3A_101 = arith.constant 80 : index
    %get3A_102 = tpu.vector_load %arg7[%get3A_101] {strides = array<i32>} : memref<128xi32, #tpu.memory_space<vmem>>, vector<16xi32>,
    %get3A_103 = vector.shape_cast %get3A_102 : vector<16xi32> to vector<16xi32>
    %mul3A_104 = arith.constant 8 : i32
    %mul3A_105 = vector.broadcast %mul3A_104 : i32 to vector<16xi32>
    %mul3A_106 = arith.muli %get3A_103, %mul3A_105 : vector<16xi32>
    %get3A_107 = arith.constant 80 : index
    %get3A_108 = tpu.vector_load %arg8[%get3A_107] {strides = array<i32>} : memref<128xi32, #tpu.memory_space<vmem>>, vector<16xi32>,
    %get3A_109 = vector.shape_cast %get3A_108 : vector<16xi32> to vector<16xi32>
    %add3A_110 = arith.addi %mul3A_106, %get3A_109 : vector<16xi32>
    %swap3A_111 = arith.constant 0 : i32
    %swap3A_112 = arith.index_cast %swap3A_111 : i32 to index
    %swap3A_113 = arith.constant 80 : index
    %swap3A_114 = tpu.vector_load %arg9[%swap3A_112, %swap3A_113] {strides = array<i32>} : memref<1x128xi32, #tpu.memory_space<vmem>>, vector<1x16xi32>,
    %swap3A_115 = vector.shape_cast %swap3A_114 : vector<1x16xi32> to vector<16xi32>
    %swap3A_116 = vector.shape_cast %add3A_110 : vector<16xi32> to vector<1x16xi32>
    tpu.vector_store %arg9[%swap3A_112, %swap3A_113], %swap3A_116 {strides = array<i32>} : memref<1x128xi32, #tpu.memory_space<vmem>>, vector<1x16xi32>,
    %get3A_117 = arith.constant 96 : index
    %get3A_118 = tpu.vector_load %arg7[%get3A_117] {strides = array<i32>} : memref<128xi32, #tpu.memory_space<vmem>>, vector<16xi32>,
    %get3A_119 = vector.shape_cast %get3A_118 : vector<16xi32> to vector<16xi32>
    %mul3A_120 = arith.constant 8 : i32
    %mul3A_121 = vector.broadcast %mul3A_120 : i32 to vector<16xi32>
    %mul3A_122 = arith.muli %get3A_119, %mul3A_121 : vector<16xi32>
    %get3A_123 = arith.constant 96 : index
    %get3A_124 = tpu.vector_load %arg8[%get3A_123] {strides = array<i32>} : memref<128xi32, #tpu.memory_space<vmem>>, vector<16xi32>,
    %get3A_125 = vector.shape_cast %get3A_124 : vector<16xi32> to vector<16xi32>
    %add3A_126 = arith.addi %mul3A_122, %get3A_125 : vector<16xi32>
    %swap3A_127 = arith.constant 0 : i32
    %swap3A_128 = arith.index_cast %swap3A_127 : i32 to index
    %swap3A_129 = arith.constant 96 : index
    %swap3A_130 = tpu.vector_load %arg9[%swap3A_128, %swap3A_129] {strides = array<i32>} : memref<1x128xi32, #tpu.memory_space<vmem>>, vector<1x16xi32>,
    %swap3A_131 = vector.shape_cast %swap3A_130 : vector<1x16xi32> to vector<16xi32>
    %swap3A_132 = vector.shape_cast %add3A_126 : vector<16xi32> to vector<1x16xi32>
    tpu.vector_store %arg9[%swap3A_128, %swap3A_129], %swap3A_132 {strides = array<i32>} : memref<1x128xi32, #tpu.memory_space<vmem>>, vector<1x16xi32>,
    %get3A_133 = arith.constant 112 : index
    %get3A_134 = tpu.vector_load %arg7[%get3A_133] {strides = array<i32>} : memref<128xi32, #tpu.memory_space<vmem>>, vector<16xi32>,
    %get3A_135 = vector.shape_cast %get3A_134 : vector<16xi32> to vector<16xi32>
    %mul3A_136 = arith.constant 8 : i32
    %mul3A_137 = vector.broadcast %mul3A_136 : i32 to vector<16xi32>
    %mul3A_138 = arith.muli %get3A_135, %mul3A_137 : vector<16xi32>
    %get3A_139 = arith.constant 112 : index
    %get3A_140 = tpu.vector_load %arg8[%get3A_139] {strides = array<i32>} : memref<128xi32, #tpu.memory_space<vmem>>, vector<16xi32>,
    %get3A_141 = vector.shape_cast %get3A_140 : vector<16xi32> to vector<16xi32>
    %add3A_142 = arith.addi %mul3A_138, %get3A_141 : vector<16xi32>
    %swap3A_143 = arith.constant 0 : i32
    %swap3A_144 = arith.index_cast %swap3A_143 : i32 to index
    %swap3A_145 = arith.constant 112 : index
    %swap3A_146 = tpu.vector_load %arg9[%swap3A_144, %swap3A_145] {strides = array<i32>} : memref<1x128xi32, #tpu.memory_space<vmem>>, vector<1x16xi32>,
    %swap3A_147 = vector.shape_cast %swap3A_146 : vector<1x16xi32> to vector<16xi32>
    %swap3A_148 = vector.shape_cast %add3A_142 : vector<16xi32> to vector<1x16xi32>
    tpu.vector_store %arg9[%swap3A_144, %swap3A_145], %swap3A_148 {strides = array<i32>} : memref<1x128xi32, #tpu.memory_space<vmem>>, vector<1x16xi32>,
    %eq3A = arith.constant 0 : i32
    %eq3A_149 = arith.cmpi eq, %arg1, %eq3A : i32
    %convert_element_type3A = arith.extui %eq3A_149 : i1 to i32
    %cond3A = arith.constant 0 : i32
    %cond3A_150 = arith.cmpi ne, %convert_element_type3A, %cond3A : i32
    scf.if %cond3A_150 {
      "tpu.region"() ({
        %run_scoped3A_170 = tpu.sem_alloc : memref<!tpu.dma_semaphore, #tpu.memory_space<semaphore_mem>>
        tpu.enqueue_dma source(%arg10 : memref<16x128xf32, #tpu.memory_space<vmem>>) target(%arg11 : memref<16x128xf32, #tpu.memory_space<vmem_shared>>) target_semaphore(%run_scoped3A_170 : memref<!tpu.dma_semaphore, #tpu.memory_space<semaphore_mem>>)
        tpu.wait_dma2 semaphore(%run_scoped3A_170 : memref<!tpu.dma_semaphore, #tpu.memory_space<semaphore_mem>>) src(%arg10 : memref<16x128xf32, #tpu.memory_space<vmem>>) dst(%arg11 : memref<16x128xf32, #tpu.memory_space<vmem_shared>>)
        tpu.yield
      }) : () -> ()
    } else {
    }
    %barrier3A = arith.constant 0 : index
    tpu.barrier barrier_id(%barrier3A)
    %dma_wait3A = arith.constant 0 : i32
    %dma_wait3A_151 = arith.constant 0 : i32
    %dma_wait3A_152 = arith.constant 0 : i32
    %dma_wait3A_153 = tpu.memref_slice %arg6[%dma_wait3A, %dma_wait3A_151, %dma_wait3A_152] : memref<1x128x128xf32, #tpu.memory_space<vmem>> -> memref<1x128x128xf32, #tpu.memory_space<vmem>>
    %dma_wait3A_154 = tpu.memref_squeeze %dma_wait3A_153 : memref<1x128x128xf32, #tpu.memory_space<vmem>> -> memref<128x128xf32, #tpu.memory_space<vmem>>
    %dma_wait3A_155 = arith.constant 0 : i32
    %dma_wait3A_156 = tpu.memref_slice %arg2[%add3A_4, %dma_wait3A_155] : memref<16384x128xf32, #tpu.memory_space<hbm>> -> memref<128x128xf32, #tpu.memory_space<hbm>>
    %dma_wait3A_157 = arith.constant 0 : i32
    %dma_wait3A_158 = arith.constant 0 : i32
    %dma_wait3A_159 = tpu.memref_slice %arg6[%dma_wait3A, %dma_wait3A_157, %dma_wait3A_158] : memref<1x128x128xf32, #tpu.memory_space<vmem>> -> memref<1x128x128xf32, #tpu.memory_space<vmem>>
    %dma_wait3A_160 = tpu.memref_squeeze %dma_wait3A_159 : memref<1x128x128xf32, #tpu.memory_space<vmem>> -> memref<128x128xf32, #tpu.memory_space<vmem>>
    %dma_wait3A_161 = arith.constant 0 : i32
    %dma_wait3A_162 = tpu.memref_slice %arg2[%add3A_4, %dma_wait3A_161] : memref<16384x128xf32, #tpu.memory_space<hbm>> -> memref<128x128xf32, #tpu.memory_space<hbm>>
    tpu.wait_dma2 semaphore(%arg12 : memref<!tpu.dma_semaphore, #tpu.memory_space<semaphore_mem>>) src(%dma_wait3A_162 : memref<128x128xf32, #tpu.memory_space<hbm>>) dst(%dma_wait3A_160 : memref<128x128xf32, #tpu.memory_space<vmem>>)
    %run_scoped3A = arith.constant 0 : i32
    %run_scoped3A_163 = arith.constant 0 : i32
    "tpu.region"() ({
      %run_scoped3A_170 = tpu.sem_alloc : memref<!tpu.dma_semaphore, #tpu.memory_space<semaphore_mem>>
      %dma_start3A_171 = arith.constant 0 : i32
      %dma_start3A_172 = arith.constant 0 : i32
      %dma_start3A_173 = tpu.memref_slice %arg6[%run_scoped3A, %dma_start3A_171, %dma_start3A_172] : memref<1x128x128xf32, #tpu.memory_space<vmem>> -> memref<1x128x128xf32, #tpu.memory_space<vmem>>
      %dma_start3A_174 = tpu.memref_squeeze %dma_start3A_173 : memref<1x128x128xf32, #tpu.memory_space<vmem>> -> memref<128x128xf32, #tpu.memory_space<vmem>>
      %dma_start3A_175 = arith.constant 0 : i32
      %dma_start3A_176 = tpu.memref_slice %arg9[%run_scoped3A_163, %dma_start3A_175] : memref<1x128xi32, #tpu.memory_space<vmem>> -> memref<1x128xi32, #tpu.memory_space<vmem>>
      %dma_start3A_177 = tpu.memref_squeeze %dma_start3A_176 : memref<1x128xi32, #tpu.memory_space<vmem>> -> memref<128xi32, #tpu.memory_space<vmem>>
      %dma_start3A_178 = arith.constant 0 : i32
      %dma_start3A_179 = arith.constant 0 : i32
      %dma_start3A_180 = tpu.memref_slice %arg11[%dma_start3A_178, %dma_start3A_179] : memref<16x128xf32, #tpu.memory_space<vmem_shared>> -> memref<16x128xf32, #tpu.memory_space<vmem_shared>>
      tpu.enqueue_indirect_dma source(%dma_start3A_174 : memref<128x128xf32, #tpu.memory_space<vmem>>) target(%dma_start3A_180 : memref<16x128xf32, #tpu.memory_space<vmem_shared>>) offsets(%dma_start3A_177 : memref<128xi32, #tpu.memory_space<vmem>>) semaphore(%run_scoped3A_170 : memref<!tpu.dma_semaphore, #tpu.memory_space<semaphore_mem>>) {add = true}
      %dma_wait3A_181 = arith.constant 0 : i32
      %dma_wait3A_182 = arith.constant 0 : i32
      %dma_wait3A_183 = tpu.memref_slice %arg6[%run_scoped3A, %dma_wait3A_181, %dma_wait3A_182] : memref<1x128x128xf32, #tpu.memory_space<vmem>> -> memref<1x128x128xf32, #tpu.memory_space<vmem>>
      %dma_wait3A_184 = tpu.memref_squeeze %dma_wait3A_183 : memref<1x128x128xf32, #tpu.memory_space<vmem>> -> memref<128x128xf32, #tpu.memory_space<vmem>>
      %dma_wait3A_185 = arith.constant 0 : i32
      %dma_wait3A_186 = tpu.memref_slice %arg9[%run_scoped3A_163, %dma_wait3A_185] : memref<1x128xi32, #tpu.memory_space<vmem>> -> memref<1x128xi32, #tpu.memory_space<vmem>>
      %dma_wait3A_187 = tpu.memref_squeeze %dma_wait3A_186 : memref<1x128xi32, #tpu.memory_space<vmem>> -> memref<128xi32, #tpu.memory_space<vmem>>
      %dma_wait3A_188 = arith.constant 0 : i32
      %dma_wait3A_189 = arith.constant 0 : i32
      %dma_wait3A_190 = tpu.memref_slice %arg11[%dma_wait3A_188, %dma_wait3A_189] : memref<16x128xf32, #tpu.memory_space<vmem_shared>> -> memref<16x128xf32, #tpu.memory_space<vmem_shared>>
      tpu.wait_indirect_dma semaphore(%run_scoped3A_170 : memref<!tpu.dma_semaphore, #tpu.memory_space<semaphore_mem>>) src(%dma_wait3A_184 : memref<128x128xf32, #tpu.memory_space<vmem>>) dst(%dma_wait3A_190 : memref<16x128xf32, #tpu.memory_space<vmem_shared>>)
      tpu.yield
    }) : () -> ()
    %barrier3A_164 = arith.constant 0 : index
    tpu.barrier barrier_id(%barrier3A_164)
    %eq3A_165 = arith.constant 0 : i32
    %eq3A_166 = arith.cmpi eq, %arg1, %eq3A_165 : i32
    %convert_element_type3A_167 = arith.extui %eq3A_166 : i1 to i32
    %cond3A_168 = arith.constant 0 : i32
    %cond3A_169 = arith.cmpi ne, %convert_element_type3A_167, %cond3A_168 : i32
    scf.if %cond3A_169 {
      "tpu.region"() ({
        %run_scoped3A_170 = tpu.sem_alloc : memref<!tpu.dma_semaphore, #tpu.memory_space<semaphore_mem>>
        %dma_start3A_171 = arith.constant 0 : i32
        %dma_start3A_172 = arith.constant 0 : i32
        %dma_start3A_173 = tpu.memref_slice %arg5[%arg0, %dma_start3A_171, %dma_start3A_172] : memref<2x16x128xf32, #tpu.memory_space<hbm>> -> memref<1x16x128xf32, #tpu.memory_space<hbm>>
        %dma_start3A_174 = tpu.memref_squeeze %dma_start3A_173 : memref<1x16x128xf32, #tpu.memory_space<hbm>> -> memref<16x128xf32, #tpu.memory_space<hbm>>
        tpu.enqueue_dma source(%arg11 : memref<16x128xf32, #tpu.memory_space<vmem_shared>>) target(%dma_start3A_174 : memref<16x128xf32, #tpu.memory_space<hbm>>) target_semaphore(%run_scoped3A_170 : memref<!tpu.dma_semaphore, #tpu.memory_space<semaphore_mem>>)
        %dma_wait3A_175 = arith.constant 0 : i32
        %dma_wait3A_176 = arith.constant 0 : i32
        %dma_wait3A_177 = tpu.memref_slice %arg5[%arg0, %dma_wait3A_175, %dma_wait3A_176] : memref<2x16x128xf32, #tpu.memory_space<hbm>> -> memref<1x16x128xf32, #tpu.memory_space<hbm>>
        %dma_wait3A_178 = tpu.memref_squeeze %dma_wait3A_177 : memref<1x16x128xf32, #tpu.memory_space<hbm>> -> memref<16x128xf32, #tpu.memory_space<hbm>>
        tpu.wait_dma2 semaphore(%run_scoped3A_170 : memref<!tpu.dma_semaphore, #tpu.memory_space<semaphore_mem>>) src(%arg11 : memref<16x128xf32, #tpu.memory_space<vmem_shared>>) dst(%dma_wait3A_178 : memref<16x128xf32, #tpu.memory_space<hbm>>)
        tpu.yield
      }) : () -> ()
    } else {
    }
    return
  }
}

module attributes {stable_mosaic.version = 14 : i64} {
  func.func @_finalize_body(%arg0: memref<2x16x128xf32, #tpu.memory_space<vmem>>, %arg1: memref<16x128xf32, #tpu.memory_space<vmem>>, %arg2: memref<16x128xf32, #tpu.memory_space<vmem>>, %arg3: memref<1x1xf32, #tpu.memory_space<vmem>>) attributes {dimension_semantics = [], scalar_prefetch = 0 : i64, scratch_operands = 0 : i64, tpu.core_type = #tpu.core_type<tc>} {
    %get3A = arith.constant 0 : index
    %get3A_0 = arith.constant 0 : index
    %get3A_1 = arith.constant 0 : index
    %get3A_2 = vector.load %arg0[%get3A, %get3A_0, %get3A_1] : memref<2x16x128xf32, #tpu.memory_space<vmem>>, vector<2x16x128xf32>
    %slice3A = vector.extract_strided_slice %get3A_2 {offsets = [0, 0, 0], sizes = [1, 16, 128], strides = [1, 1, 1]} : vector<2x16x128xf32> to vector<1x16x128xf32>
    %squeeze3A = vector.shape_cast %slice3A : vector<1x16x128xf32> to vector<16x128xf32>
    %slice3A_3 = vector.extract_strided_slice %get3A_2 {offsets = [1, 0, 0], sizes = [1, 16, 128], strides = [1, 1, 1]} : vector<2x16x128xf32> to vector<1x16x128xf32>
    %squeeze3A_4 = vector.shape_cast %slice3A_3 : vector<1x16x128xf32> to vector<16x128xf32>
    %add3A = arith.addf %squeeze3A, %squeeze3A_4 : vector<16x128xf32>
    %get3A_5 = arith.constant 0 : index
    %get3A_6 = arith.constant 0 : index
    %get3A_7 = vector.load %arg1[%get3A_5, %get3A_6] : memref<16x128xf32, #tpu.memory_space<vmem>>, vector<16x128xf32>
    %add3A_8 = arith.addf %add3A, %get3A_7 : vector<16x128xf32>
    %get3A_9 = arith.constant 0 : index
    %get3A_10 = arith.constant 0 : index
    %get3A_11 = vector.load %arg2[%get3A_9, %get3A_10] : memref<16x128xf32, #tpu.memory_space<vmem>>, vector<16x128xf32>
    %slice3A_12 = vector.extract_strided_slice %get3A_11 {offsets = [0, 0], sizes = [16, 1], strides = [1, 1]} : vector<16x128xf32> to vector<16x1xf32>
    %slice3A_13 = vector.extract_strided_slice %slice3A_12 {offsets = [0, 0], sizes = [8, 1], strides = [1, 1]} : vector<16x1xf32> to vector<8x1xf32>
    %slice3A_14 = vector.extract_strided_slice %slice3A_12 {offsets = [8, 0], sizes = [8, 1], strides = [1, 1]} : vector<16x1xf32> to vector<8x1xf32>
    %add3A_15 = arith.addf %slice3A_13, %slice3A_14 : vector<8x1xf32>
    %gt3A = arith.constant 0.000000e+00 : f32
    %gt3A_16 = vector.broadcast %gt3A : f32 to vector<8x1xf32>
    %gt3A_17 = arith.cmpf ogt, %add3A_15, %gt3A_16 : vector<8x1xf32>
    %convert_element_type3A = arith.extui %gt3A_17 : vector<8x1xi1> to vector<8x1xi32>
    %convert_element_type3A_18 = arith.sitofp %convert_element_type3A : vector<8x1xi32> to vector<8x1xf32>
    %reduce_sum3A = vector.shape_cast %convert_element_type3A_18 : vector<8x1xf32> to vector<1x8x1xf32>
    %reduce_sum3A_19 = arith.constant dense<0.000000e+00> : vector<1xf32>
    %reduce_sum3A_20 = vector.multi_reduction <add>, %reduce_sum3A, %reduce_sum3A_19 [1, 2] : vector<1x8x1xf32> to vector<1xf32>
    %reduce_sum3A_21 = vector.shape_cast %reduce_sum3A_20 : vector<1xf32> to vector<1x1x1xf32>
    %reduce_sum3A_22 = vector.extract %reduce_sum3A_21[0, 0, 0] : f32 from vector<1x1x1xf32>
    %broadcast_in_dim3A = vector.broadcast %reduce_sum3A_22 : f32 to vector<1x1xf32>
    %max3A = arith.constant 1.000000e+00 : f32
    %max3A_23 = vector.broadcast %max3A : f32 to vector<1x1xf32>
    %max3A_24 = arith.maximumf %broadcast_in_dim3A, %max3A_23 : vector<1x1xf32>
    %div3A = arith.constant 1.000000e+00 : f32
    %div3A_25 = vector.broadcast %div3A : f32 to vector<1x1xf32>
    %div3A_26 = arith.divf %div3A_25, %max3A_24 : vector<1x1xf32>
    %sub3A = arith.constant 1.000000e+00 : f32
    %sub3A_27 = vector.broadcast %sub3A : f32 to vector<1x1xf32>
    %sub3A_28 = arith.subf %broadcast_in_dim3A, %sub3A_27 : vector<1x1xf32>
    %max3A_29 = arith.constant 1.000000e+00 : f32
    %max3A_30 = vector.broadcast %max3A_29 : f32 to vector<1x1xf32>
    %max3A_31 = arith.maximumf %sub3A_28, %max3A_30 : vector<1x1xf32>
    %div3A_32 = arith.constant 1.000000e+00 : f32
    %div3A_33 = vector.broadcast %div3A_32 : f32 to vector<1x1xf32>
    %div3A_34 = arith.divf %div3A_33, %max3A_31 : vector<1x1xf32>
    %slice3A_35 = vector.extract_strided_slice %add3A_8 {offsets = [0, 0], sizes = [8, 128], strides = [1, 1]} : vector<16x128xf32> to vector<8x128xf32>
    %gt3A_36 = arith.constant 0.000000e+00 : f32
    %gt3A_37 = vector.broadcast %gt3A_36 : f32 to vector<8x1xf32>
    %gt3A_38 = arith.cmpf ogt, %slice3A_13, %gt3A_37 : vector<8x1xf32>
    %max3A_39 = arith.constant 1.000000e+00 : f32
    %max3A_40 = vector.broadcast %max3A_39 : f32 to vector<8x1xf32>
    %max3A_41 = arith.maximumf %slice3A_13, %max3A_40 : vector<8x1xf32>
    %div3A_42 = vector.broadcast %max3A_41 : vector<8x1xf32> to vector<8x128xf32>
    %div3A_43 = arith.divf %slice3A_35, %div3A_42 : vector<8x128xf32>
    %jit3A = arith.constant 0.000000e+00 : f32
    %broadcast_in_dim3A_44 = vector.shape_cast %gt3A_38 : vector<8x1xi1> to vector<8x1xi1>
    %broadcast_in_dim3A_45 = vector.broadcast %broadcast_in_dim3A_44 : vector<8x1xi1> to vector<8x128xi1>
    %broadcast_in_dim3A_46 = vector.broadcast %jit3A : f32 to vector<8x128xf32>
    %select_n3A = arith.select %broadcast_in_dim3A_45, %div3A_43, %broadcast_in_dim3A_46 : vector<8x128xi1>, vector<8x128xf32>
    %mul3A = vector.broadcast %convert_element_type3A_18 : vector<8x1xf32> to vector<8x128xf32>
    %mul3A_47 = arith.mulf %select_n3A, %mul3A : vector<8x128xf32>
    %reduce_sum3A_48 = arith.constant dense<0.000000e+00> : vector<128xf32>
    %reduce_sum3A_49 = vector.multi_reduction <add>, %mul3A_47, %reduce_sum3A_48 [0] : vector<8x128xf32> to vector<128xf32>
    %broadcast_in_dim3A_50 = vector.shape_cast %reduce_sum3A_49 : vector<128xf32> to vector<1x128xf32>
    %mul3A_51 = vector.broadcast %div3A_26 : vector<1x1xf32> to vector<1x128xf32>
    %mul3A_52 = arith.mulf %broadcast_in_dim3A_50, %mul3A_51 : vector<1x128xf32>
    %sub3A_53 = vector.broadcast %mul3A_52 : vector<1x128xf32> to vector<8x128xf32>
    %sub3A_54 = arith.subf %select_n3A, %sub3A_53 : vector<8x128xf32>
    %integer_pow3A = arith.mulf %sub3A_54, %sub3A_54 : vector<8x128xf32>
    %mul3A_55 = vector.broadcast %convert_element_type3A_18 : vector<8x1xf32> to vector<8x128xf32>
    %mul3A_56 = arith.mulf %integer_pow3A, %mul3A_55 : vector<8x128xf32>
    %reduce_sum3A_57 = arith.constant dense<0.000000e+00> : vector<128xf32>
    %reduce_sum3A_58 = vector.multi_reduction <add>, %mul3A_56, %reduce_sum3A_57 [0] : vector<8x128xf32> to vector<128xf32>
    %broadcast_in_dim3A_59 = vector.shape_cast %reduce_sum3A_58 : vector<128xf32> to vector<1x128xf32>
    %mul3A_60 = vector.broadcast %div3A_34 : vector<1x1xf32> to vector<1x128xf32>
    %mul3A_61 = arith.mulf %broadcast_in_dim3A_59, %mul3A_60 : vector<1x128xf32>
    %reduce_sum3A_62 = arith.constant dense<0.000000e+00> : vector<1xf32>
    %reduce_sum3A_63 = vector.multi_reduction <add>, %mul3A_61, %reduce_sum3A_62 [1] : vector<1x128xf32> to vector<1xf32>
    %broadcast_in_dim3A_64 = vector.shape_cast %reduce_sum3A_63 : vector<1xf32> to vector<1x1xf32>
    %div3A_65 = arith.constant 1.280000e+02 : f32
    %div3A_66 = vector.broadcast %div3A_65 : f32 to vector<1x1xf32>
    %div3A_67 = arith.divf %broadcast_in_dim3A_64, %div3A_66 : vector<1x1xf32>
    %slice3A_68 = vector.extract_strided_slice %add3A_8 {offsets = [8, 0], sizes = [8, 128], strides = [1, 1]} : vector<16x128xf32> to vector<8x128xf32>
    %gt3A_69 = arith.constant 0.000000e+00 : f32
    %gt3A_70 = vector.broadcast %gt3A_69 : f32 to vector<8x1xf32>
    %gt3A_71 = arith.cmpf ogt, %slice3A_14, %gt3A_70 : vector<8x1xf32>
    %max3A_72 = arith.constant 1.000000e+00 : f32
    %max3A_73 = vector.broadcast %max3A_72 : f32 to vector<8x1xf32>
    %max3A_74 = arith.maximumf %slice3A_14, %max3A_73 : vector<8x1xf32>
    %div3A_75 = vector.broadcast %max3A_74 : vector<8x1xf32> to vector<8x128xf32>
    %div3A_76 = arith.divf %slice3A_68, %div3A_75 : vector<8x128xf32>
    %jit3A_77 = arith.constant 0.000000e+00 : f32
    %broadcast_in_dim3A_78 = vector.shape_cast %gt3A_71 : vector<8x1xi1> to vector<8x1xi1>
    %broadcast_in_dim3A_79 = vector.broadcast %broadcast_in_dim3A_78 : vector<8x1xi1> to vector<8x128xi1>
    %broadcast_in_dim3A_80 = vector.broadcast %jit3A_77 : f32 to vector<8x128xf32>
    %select_n3A_81 = arith.select %broadcast_in_dim3A_79, %div3A_76, %broadcast_in_dim3A_80 : vector<8x128xi1>, vector<8x128xf32>
    %mul3A_82 = vector.broadcast %convert_element_type3A_18 : vector<8x1xf32> to vector<8x128xf32>
    %mul3A_83 = arith.mulf %select_n3A_81, %mul3A_82 : vector<8x128xf32>
    %reduce_sum3A_84 = arith.constant dense<0.000000e+00> : vector<128xf32>
    %reduce_sum3A_85 = vector.multi_reduction <add>, %mul3A_83, %reduce_sum3A_84 [0] : vector<8x128xf32> to vector<128xf32>
    %broadcast_in_dim3A_86 = vector.shape_cast %reduce_sum3A_85 : vector<128xf32> to vector<1x128xf32>
    %mul3A_87 = vector.broadcast %div3A_26 : vector<1x1xf32> to vector<1x128xf32>
    %mul3A_88 = arith.mulf %broadcast_in_dim3A_86, %mul3A_87 : vector<1x128xf32>
    %sub3A_89 = vector.broadcast %mul3A_88 : vector<1x128xf32> to vector<8x128xf32>
    %sub3A_90 = arith.subf %select_n3A_81, %sub3A_89 : vector<8x128xf32>
    %integer_pow3A_91 = arith.mulf %sub3A_90, %sub3A_90 : vector<8x128xf32>
    %mul3A_92 = vector.broadcast %convert_element_type3A_18 : vector<8x1xf32> to vector<8x128xf32>
    %mul3A_93 = arith.mulf %integer_pow3A_91, %mul3A_92 : vector<8x128xf32>
    %reduce_sum3A_94 = arith.constant dense<0.000000e+00> : vector<128xf32>
    %reduce_sum3A_95 = vector.multi_reduction <add>, %mul3A_93, %reduce_sum3A_94 [0] : vector<8x128xf32> to vector<128xf32>
    %broadcast_in_dim3A_96 = vector.shape_cast %reduce_sum3A_95 : vector<128xf32> to vector<1x128xf32>
    %mul3A_97 = vector.broadcast %div3A_34 : vector<1x1xf32> to vector<1x128xf32>
    %mul3A_98 = arith.mulf %broadcast_in_dim3A_96, %mul3A_97 : vector<1x128xf32>
    %reduce_sum3A_99 = arith.constant dense<0.000000e+00> : vector<1xf32>
    %reduce_sum3A_100 = vector.multi_reduction <add>, %mul3A_98, %reduce_sum3A_99 [1] : vector<1x128xf32> to vector<1xf32>
    %broadcast_in_dim3A_101 = vector.shape_cast %reduce_sum3A_100 : vector<1xf32> to vector<1x1xf32>
    %div3A_102 = arith.constant 1.280000e+02 : f32
    %div3A_103 = vector.broadcast %div3A_102 : f32 to vector<1x1xf32>
    %div3A_104 = arith.divf %broadcast_in_dim3A_101, %div3A_103 : vector<1x1xf32>
    %add3A_105 = arith.addf %div3A_67, %div3A_104 : vector<1x1xf32>
    %div3A_106 = arith.constant 2.000000e+00 : f32
    %div3A_107 = vector.broadcast %div3A_106 : f32 to vector<1x1xf32>
    %div3A_108 = arith.divf %add3A_105, %div3A_107 : vector<1x1xf32>
    %lt3A = arith.constant 2.000000e+00 : f32
    %lt3A_109 = vector.broadcast %lt3A : f32 to vector<1x1xf32>
    %lt3A_110 = arith.cmpf olt, %broadcast_in_dim3A, %lt3A_109 : vector<1x1xf32>
    %mul3A_111 = arith.constant 1.000000e-01 : f32
    %mul3A_112 = vector.broadcast %mul3A_111 : f32 to vector<1x1xf32>
    %mul3A_113 = arith.mulf %mul3A_112, %div3A_108 : vector<1x1xf32>
    %jit3A_114 = arith.constant 0.000000e+00 : f32
    %broadcast_in_dim3A_115 = vector.broadcast %jit3A_114 : f32 to vector<1x1xf32>
    %select_n3A_116 = arith.select %lt3A_110, %broadcast_in_dim3A_115, %mul3A_113 : vector<1x1xi1>, vector<1x1xf32>
    %swap3A = arith.constant 0 : index
    %swap3A_117 = arith.constant 0 : index
    %swap3A_118 = vector.load %arg3[%swap3A, %swap3A_117] : memref<1x1xf32, #tpu.memory_space<vmem>>, vector<1x1xf32>
    tpu.vector_store %arg3[%swap3A, %swap3A_117], %select_n3A_116 {strides = array<i32>} : memref<1x1xf32, #tpu.memory_space<vmem>>, vector<1x1xf32>,
    return
  }
}

module attributes {stable_mosaic.version = 14 : i64} {
  func.func @_tc_partial_body(%arg0: i32, %arg1: memref<4096x128xf32, #tpu.memory_space<vmem>>, %arg2: memref<1x4096xi32, #tpu.memory_space<vmem>>, %arg3: memref<1x4096xi32, #tpu.memory_space<vmem>>, %arg4: memref<16x128xf32, #tpu.memory_space<vmem>>, %arg5: memref<16x128xf32, #tpu.memory_space<vmem>>) attributes {dimension_semantics = [#tpu.dimension_semantics<arbitrary>], iteration_bounds = array<i64: 4>, scalar_prefetch = 0 : i64, scratch_operands = 0 : i64, tpu.core_type = #tpu.core_type<tc>, window_params = [{transform_indices = @transform_0, window_bounds = array<i64: 4096, 128>}, {transform_indices = @transform_1, window_bounds = array<i64: 1, 4096>}, {transform_indices = @transform_2, window_bounds = array<i64: 1, 4096>}, {pipeline_mode = #tpu.pipeline_mode<synchronous>, transform_indices = @transform_3, window_bounds = array<i64: 16, 128>}, {pipeline_mode = #tpu.pipeline_mode<synchronous>, transform_indices = @transform_4, window_bounds = array<i64: 16, 128>}]} {
    %eq3A = arith.constant 0 : i32
    %eq3A_0 = arith.cmpi eq, %arg0, %eq3A : i32
    %convert_element_type3A = arith.extui %eq3A_0 : i1 to i32
    %cond3A = arith.constant 0 : i32
    %cond3A_1 = arith.cmpi ne, %convert_element_type3A, %cond3A : i32
    scf.if %cond3A_1 {
      %broadcast_in_dim3A_27 = arith.constant 0.000000e+00 : f32
      %broadcast_in_dim3A_28 = vector.broadcast %broadcast_in_dim3A_27 : f32 to vector<16x128xf32>
      %swap3A_29 = arith.constant 0 : index
      %swap3A_30 = arith.constant 0 : index
      %swap3A_31 = vector.load %arg4[%swap3A_29, %swap3A_30] : memref<16x128xf32, #tpu.memory_space<vmem>>, vector<16x128xf32>
      tpu.vector_store %arg4[%swap3A_29, %swap3A_30], %broadcast_in_dim3A_28 {strides = array<i32>} : memref<16x128xf32, #tpu.memory_space<vmem>>, vector<16x128xf32>,
      %broadcast_in_dim3A_32 = arith.constant 0.000000e+00 : f32
      %broadcast_in_dim3A_33 = vector.broadcast %broadcast_in_dim3A_32 : f32 to vector<16x128xf32>
      %swap3A_34 = arith.constant 0 : index
      %swap3A_35 = arith.constant 0 : index
      %swap3A_36 = vector.load %arg5[%swap3A_34, %swap3A_35] : memref<16x128xf32, #tpu.memory_space<vmem>>, vector<16x128xf32>
      tpu.vector_store %arg5[%swap3A_34, %swap3A_35], %broadcast_in_dim3A_33 {strides = array<i32>} : memref<16x128xf32, #tpu.memory_space<vmem>>, vector<16x128xf32>,
    } else {
    }
    %get3A = arith.constant 0 : index
    %get3A_2 = arith.constant 0 : index
    %get3A_3 = vector.load %arg2[%get3A, %get3A_2] : memref<1x4096xi32, #tpu.memory_space<vmem>>, vector<1x4096xi32>
    %mul3A = arith.constant 8 : i32
    %mul3A_4 = vector.broadcast %mul3A : i32 to vector<1x4096xi32>
    %mul3A_5 = arith.muli %get3A_3, %mul3A_4 : vector<1x4096xi32>
    %get3A_6 = arith.constant 0 : index
    %get3A_7 = arith.constant 0 : index
    %get3A_8 = vector.load %arg3[%get3A_6, %get3A_7] : memref<1x4096xi32, #tpu.memory_space<vmem>>, vector<1x4096xi32>
    %add3A = arith.addi %mul3A_5, %get3A_8 : vector<1x4096xi32>
    %iota3A = tpu.iota {dimensions = array<i32: 0>} : vector<16x1xi32>
    %eq3A_9 = vector.broadcast %add3A : vector<1x4096xi32> to vector<16x4096xi32>
    %eq3A_10 = vector.broadcast %iota3A : vector<16x1xi32> to vector<16x4096xi32>
    %eq3A_11 = arith.cmpi eq, %eq3A_9, %eq3A_10 : vector<16x4096xi32>
    %convert_element_type3A_12 = arith.extui %eq3A_11 : vector<16x4096xi1> to vector<16x4096xi32>
    %convert_element_type3A_13 = arith.sitofp %convert_element_type3A_12 : vector<16x4096xi32> to vector<16x4096xf32>
    %get3A_14 = arith.constant 0 : index
    %get3A_15 = arith.constant 0 : index
    %get3A_16 = vector.load %arg5[%get3A_14, %get3A_15] : memref<16x128xf32, #tpu.memory_space<vmem>>, vector<16x128xf32>
    %reduce_sum3A = arith.constant dense<0.000000e+00> : vector<16xf32>
    %reduce_sum3A_17 = vector.multi_reduction <add>, %convert_element_type3A_13, %reduce_sum3A [1] : vector<16x4096xf32> to vector<16xf32>
    %broadcast_in_dim3A = vector.shape_cast %reduce_sum3A_17 : vector<16xf32> to vector<16x1xf32>
    %broadcast_in_dim3A_18 = vector.shape_cast %broadcast_in_dim3A : vector<16x1xf32> to vector<16x1xf32>
    %broadcast_in_dim3A_19 = vector.broadcast %broadcast_in_dim3A_18 : vector<16x1xf32> to vector<16x128xf32>
    %add3A_20 = arith.addf %get3A_16, %broadcast_in_dim3A_19 : vector<16x128xf32>
    %swap3A = arith.constant 0 : index
    %swap3A_21 = arith.constant 0 : index
    %swap3A_22 = vector.load %arg5[%swap3A, %swap3A_21] : memref<16x128xf32, #tpu.memory_space<vmem>>, vector<16x128xf32>
    tpu.vector_store %arg5[%swap3A, %swap3A_21], %add3A_20 {strides = array<i32>} : memref<16x128xf32, #tpu.memory_space<vmem>>, vector<16x128xf32>,
    %ge3A = arith.constant 1 : i32
    %ge3A_23 = arith.cmpi sge, %arg0, %ge3A : i32
    %convert_element_type3A_24 = arith.extui %ge3A_23 : i1 to i32
    %cond3A_25 = arith.constant 0 : i32
    %cond3A_26 = arith.cmpi ne, %convert_element_type3A_24, %cond3A_25 : i32
    scf.if %cond3A_26 {
      %get3A_27 = arith.constant 0 : index
      %get3A_28 = arith.constant 0 : index
      %get3A_29 = vector.load %arg4[%get3A_27, %get3A_28] : memref<16x128xf32, #tpu.memory_space<vmem>>, vector<16x128xf32>
      %get3A_30 = arith.constant 0 : index
      %get3A_31 = arith.constant 0 : index
      %get3A_32 = vector.load %arg1[%get3A_30, %get3A_31] : memref<4096x128xf32, #tpu.memory_space<vmem>>, vector<4096x128xf32>
      %dot_general3A = arith.constant dense<0.000000e+00> : vector<16x128xf32>
      %dot_general3A_33 = tpu.matmul %convert_element_type3A_13, %get3A_32, %dot_general3A {dimension_numbers = #tpu.dot_dimension_numbers<[1], [0], [0], [1], [0, 0, 1, 1], [], []>, transpose_lhs_hint = false} : vector<16x4096xf32>, vector<4096x128xf32>, vector<16x128xf32> -> vector<16x128xf32>
      %add3A_34 = arith.addf %get3A_29, %dot_general3A_33 : vector<16x128xf32>
      %swap3A_35 = arith.constant 0 : index
      %swap3A_36 = arith.constant 0 : index
      %swap3A_37 = vector.load %arg4[%swap3A_35, %swap3A_36] : memref<16x128xf32, #tpu.memory_space<vmem>>, vector<16x128xf32>
      tpu.vector_store %arg4[%swap3A_35, %swap3A_36], %add3A_34 {strides = array<i32>} : memref<16x128xf32, #tpu.memory_space<vmem>>, vector<16x128xf32>,
    } else {
    }
    return
  }
  func.func @transform_0(%arg0: i32) -> (i32, i32) {
    %max3A = arith.constant 1 : i32
    %max3A_0 = arith.maxsi %arg0, %max3A : i32
    %c0_i32 = arith.constant 0 : i32
    %c0_i32_1 = arith.constant 0 : i32
    return %max3A_0, %c0_i32 : i32, i32
  }
  func.func @transform_1(%arg0: i32) -> (i32, i32) {
    %c0_i32 = arith.constant 0 : i32
    %c0_i32_0 = arith.constant 0 : i32
    return %c0_i32, %arg0 : i32, i32
  }
  func.func @transform_2(%arg0: i32) -> (i32, i32) {
    %c0_i32 = arith.constant 0 : i32
    %c0_i32_0 = arith.constant 0 : i32
    return %c0_i32, %arg0 : i32, i32
  }
  func.func @transform_3(%arg0: i32) -> (i32, i32) {
    %c0_i32 = arith.constant 0 : i32
    %c0_i32_0 = arith.constant 0 : i32
    %c0_i32_1 = arith.constant 0 : i32
    return %c0_i32, %c0_i32_0 : i32, i32
  }
  func.func @transform_4(%arg0: i32) -> (i32, i32) {
    %c0_i32 = arith.constant 0 : i32
    %c0_i32_0 = arith.constant 0 : i32
    %c0_i32_1 = arith.constant 0 : i32
    return %c0_i32, %c0_i32_0 : i32, i32
  }
}

</mosaic_0001>

<sc_bundles>
// kernel: kernel.5.cloned.1.call-start
scs
__scs_entry_jumppad:
0x0: {  	(pc) =	sbr.rel $0x88, $3  }
0x1: {  	(tag) =	ssettag $0x0;
	lr =	simm.s32 $0x1  }
0x2: {  	[smem:$0x3F9E] =	sst lr;
	_ =	strace $0xD0000000  }
0x3: {  	_ = 	snop  }
0x4: {  	_ = 	snop  }
0x5: {  	_ = 	snop  }
0x6: {  	_ = 	snop  }
0x7: {  	_ = 	snop  }
__scs_overlays_trampoline_lowered:
0x8: {  	[smem:$0x3FAD] =	sst s0  }
0x9: {  	[smem:$0x3FAE] =	sst s1  }
0xa: {  	[smem:$0x3FAF] =	sst s2  }
0xb: {  	[smem:$0x3FB0] =	sst s3  }
0xc: {  	[smem:$0x3FB1] =	sst s4  }
0xd: {  	[smem:$0x3FB2] =	sst s5  }
0xe: {  	[smem:$0x3FB3] =	sst s6  }
0xf: {  	[smem:$0x3FB4] =	sst s7  }
0x10: {  	[smem:$0x3FB5] =	sst s8  }
0x11: {  	[smem:$0x3FB6] =	sst s9;
	s0 =	simm.s32 @!p0 $0x0  }
0x12: {  	s1 =	sld [smem:$0x3F9C];
	s0 =	simm.s32 @p0 $0x1  }
0x13: {  	[smem:$0x3FB7] =	sst s0;
	s0 =	simm.s32 @!p1 $0x0  }
0x14: {  	s2 =	sld [smem:$0x3F9B];
	s0 =	simm.s32 @p1 $0x1  }
0x15: {  	[smem:$0x3FB8] =	sst s0;
	s0 =	simm.s32 @!p2 $0x0  }
0x16: {  	s3 =	sld [smem:$0x3FDB];
	s0 =	simm.s32 @p2 $0x1  }
0x17: {  	s4 =	simm.s32 $0x1BF5;
	[smem:$0x3FBA] =	sst s0  }
0x18: {  	s0 =	sld [smem:$0x3F9D];
	_ =	swait.ge [sflag:s4], $0x0  }
0x19: {  	s7 =	sld [smem:$0x3F9E]  }
0x1a: {  	s8 =	sadd.s32 $0xFFFFE003, lr  }
0x1b: {  	s9 =	sadd.s32 $0xFFFFFEF7, lr;
	s5 =	simm.s32 $0xFFFFFFFF;
	p2 =	slt.u32 s8, $0xFFFFF086  }
0x1c: {  	p1 =	slt.u32 s9, $0xF7A;
	s5 =	simm.s32 @!p2 $0x0  }
0x1d: {  	s5 =	simm.s32 @p1 $0x1;
	p0 =	seq.s32 s7, s2  }
0x1e: {  	s7 =	smul.u32 @!p0 $0xF7A, s2;
	p2 =	seq.s32 @!p0 s5, $0x0  }
0x1f: {  	s9 =	smul.u32 $0xF7A, s1;
	s8 =	simm.s32 @!p0 $0x1BF5;
	p2 =	por !p2, p0  }
0x20: {  	[sflag:s8] =	ssyncset.s32 @!p0 $0xFFFFF086;
	s6 =	sadd.s32 @!p0 s3, s7;
	s7 =	simm.s32 @!p0 $0x108  }
0x21: {  	s3 =	sadd.s32 s3, s9;
	s6 =	sadd.s32 @!p0 $0x88, s6;
	s7 =	simm.s32 @p2 $0x1082  }
0x22: {  	[simem:s7], [sflag:s8] =	dma.local @!p0 [hbm:s6], $0xF7A  }
0x23: {  	s9 =	sor.u32 $0xD0000000, s2;
	s6 =	simm.s32 $0x108;
	_ =	swait.ge @!p0 [sflag:s8], $0x0  }
0x24: {  	s3 =	sadd.s32 $0x88, s3;
	s6 =	simm.s32 @!p1 $0x1082;
	[sflag:s4] =	ssyncset.s32 $0xFFFFF086  }
0x25: {  	[simem:s6], [sflag:s4] =	dma.local [hbm:s3], $0xF7A  }
0x26: {  	[smem:$0x3F9E] =	sst s1;
	(tag) =	ssettag s2;
	_ =	strace s9  }
0x27: {  	s1 =	sld [smem:$0x3FAE]  }
0x28: {  	s2 =	sld [smem:$0x3FAF]  }
0x29: {  	s4 =	sld [smem:$0x3FB1]  }
0x2a: {  	p0 =	seq.s32 s5, $0x0;
	s5 =	sld [smem:$0x3FB2]  }
0x2b: {  	s6 =	sld [smem:$0x3FB3]  }
0x2c: {  	s7 =	sld [smem:$0x3FB4]  }
0x2d: {  	s3 =	simm.s32 $0x108;
	s8 =	sld [smem:$0x3FB5]  }
0x2e: {  	s3 =	simm.s32 @!p0 $0x1082;
	s9 =	sld [smem:$0x3FB6]  }
0x2f: {  	lr =	sadd.s32 s0, s3;
	s0 =	sld [smem:$0x3FAD]  }
0x30: {  	s3 =	sld [smem:$0x3FB0]  }
0x31: {  	[smem:$0x3FB9] =	sst s10  }
0x32: {  	s10 =	sld [smem:$0x3FB7];
	_ =	sdelay $0x3  }
0x33: {  	p0 =	seq.s32 s10, $0x1;
	s10 =	sld [smem:$0x3FB9];
	_ =	sdelay $0x3  }
0x34: {  	[smem:$0x3FB9] =	sst s10  }
0x35: {  	s10 =	sld [smem:$0x3FB8];
	_ =	sdelay $0x3  }
0x36: {  	p1 =	seq.s32 s10, $0x1;
	s10 =	sld [smem:$0x3FB9];
	_ =	sdelay $0x3  }
0x37: {  	[smem:$0x3FB9] =	sst s10  }
0x38: {  	s10 =	sld [smem:$0x3FBA]  }
0x39: {  	_ = 	snop;
	(pc) =	sbr.ind lr, $3  }
0x3a: {  	_ = 	snop  }
0x3b: {  	_ = 	snop  }
0x3c: {  	p2 =	seq.s32 s10, $0x1;
	s10 =	sld [smem:$0x3FB9]  }
0x3d: {  	_ =	shalt  }
0x3e: {  	_ =	shalt  }
0x3f: {  	_ =	shalt  }
0x40: {  	_ =	shalt  }
0x41: {  	_ =	shalt  }
0x42: {  	_ =	shalt  }
0x43: {  	_ =	shalt  }
0x44: {  	_ =	shalt  }
0x45: {  	_ =	shalt  }
0x46: {  	_ =	shalt  }
0x47: {  	_ =	shalt  }
0x48: {  	_ =	shalt  }
0x49: {  	_ =	shalt  }
0x4a: {  	_ =	shalt  }
0x4b: {  	_ =	shalt  }
0x4c: {  	_ =	shalt  }
0x4d: {  	_ =	shalt  }
0x4e: {  	_ =	shalt  }
0x4f: {  	_ =	shalt  }
0x50: {  	_ =	shalt  }
0x51: {  	_ =	shalt  }
0x52: {  	_ =	shalt  }
0x53: {  	_ =	shalt  }
0x54: {  	_ =	shalt  }
0x55: {  	_ =	shalt  }
0x56: {  	_ =	shalt  }
0x57: {  	_ =	shalt  }
0x58: {  	_ =	shalt  }
0x59: {  	_ =	shalt  }
0x5a: {  	_ =	shalt  }
0x5b: {  	_ =	shalt  }
0x5c: {  	_ =	shalt  }
0x5d: {  	_ =	shalt  }
0x5e: {  	_ =	shalt  }
0x5f: {  	_ =	shalt  }
0x60: {  	_ =	shalt  }
0x61: {  	_ =	shalt  }
0x62: {  	_ =	shalt  }
0x63: {  	_ =	shalt  }
0x64: {  	_ =	shalt  }
0x65: {  	_ =	shalt  }
0x66: {  	_ =	shalt  }
0x67: {  	_ =	shalt  }
0x68: {  	_ =	shalt  }
0x69: {  	_ =	shalt  }
0x6a: {  	_ =	shalt  }
0x6b: {  	_ =	shalt  }
0x6c: {  	_ =	shalt  }
0x6d: {  	_ =	shalt  }
0x6e: {  	_ =	shalt  }
0x6f: {  	_ =	shalt  }
0x70: {  	_ =	shalt  }
0x71: {  	_ =	shalt  }
0x72: {  	_ =	shalt  }
0x73: {  	_ =	shalt  }
0x74: {  	_ =	shalt  }
0x75: {  	_ =	shalt  }
0x76: {  	_ =	shalt  }
0x77: {  	_ =	shalt  }
0x78: {  	_ =	shalt  }
0x79: {  	_ =	shalt  }
0x7a: {  	_ =	shalt  }
0x7b: {  	_ =	shalt  }
0x7c: {  	_ =	shalt  }
0x7d: {  	_ =	shalt  }
0x7e: {  	_ =	shalt  }
0x7f: {  	_ =	shalt  }
0x80: {  	_ =	shalt  }
0x81: {  	_ =	shalt  }
0x82: {  	_ =	shalt  }
0x83: {  	_ =	shalt  }
0x84: {  	_ =	shalt  }
0x85: {  	_ =	shalt  }
0x86: {  	_ =	shalt  }
0x87: {  	_ =	shalt  }
.Lfunc_end0:
.L_simem_size_0:
called_computation_lowered:
.L_overlay_start_0:
0x88: {  	s2 =	sld [smem:$0x3FD9]  }
0x89: {  	s3 =	sld [smem:$0x3FFE];
	_ =	sdelay $0x1  }
0x8a: {  	s1 =	srdreg.scid  }
0x8b: {  	s0 =	sand.u32 $0x1, s1  }
0x8c: {  	s17 =	sshll.u32 s0, $0xA;
	s2 =	sadd.s32 s3, s2  }
0x8d: {  	s2 =	sadd.s32 s2, s17  }
0x8e: {  	[smem:$0x3FC5] =	sst s2  }
0x8f: {  	_ = 	snop  }
0x90: {  	s2 =	sld [smem:$0x3FC9]  }
0x91: {  	s18 =	sld [smem:$0x3FC8]  }
0x92: {  	s4 =	sld [smem:$0x3FC7];
	(tm) =	ssettm $0x1  }
0x93: {  	s5 =	sld [smem:$0x3FFB];
	_ =	sdelay $0x3  }
0x94: {  	_ =	strace s5  }
0x95: {  	s5 =	sld [smem:$0x3FFC];
	_ =	sdelay $0x3  }
0x96: {  	_ =	strace s5  }
0x97: {  	s5 =	sld [smem:$0x3FFD];
	_ =	sdelay $0x3  }
0x98: {  	_ =	strace s5  }
0x99: {  	_ =	strace $0x8FFFFFFF  }
0x9a: {  	s19 =	sld [smem:$0x3FDB];
	_ =	sdelay $0x1  }
0x9b: {  	s6 =	simm.s32 $_scs_section_size  }
0x9c: {  	s7 =	simm.s32 $_size__tile_overlayer_lowered;
	s8 =	simm.s32 $_tile_overlayer_lowered  }
0x9d: {  	s22 =	simm.s32 $0x1BFF;
	s21 =	sshll.u32 s8, $0x1;
	s5 =	sadd.s32 s6, s19  }
0x9e: {  	s9 =	simm.s32 $0x0;
	s20 =	sshll.u32 s7, $0x1;
	s7 =	sadd.s32 s21, s5  }
0x9f: {  	[timem:s9], [sflag:s22] =	dma.local [hbm:s7], s20  }
0xa0: {  	_ =	swait.ge [sflag:s22], s20  }
0xa1: {  	s6 =	ssub.s32 $0x0, s20;
	[sflag:s22] =	ssyncset.done $0x0  }
0xa2: {  	[sflag:s22] =	ssyncadd.s32 s6;
	_ =	sdelay $0x1  }
0xa3: {  	s23 =	simm.s32 $0x1B8B  }
0xa4: {  	_ =	swait.ge [sflag:s23], $0x1  }
0xa5: {  	[sflag:s23] =	ssyncset.done $0x0  }
0xa6: {  	s25 =	simm.s32 $0x1B8E;
	s24 =	sld [smem:$0x3FFE];
	[sflag:s23] =	ssyncadd.s32 $0xFFFFFFFF  }
0xa7: {  	s26 =	simm.s32 $execute0_lowered;
	[smem:$0x3FD2] =	sst s25  }
0xa8: {  	s7 =	sshll.u32 s26, $0x1;
	_ =	strace $0x80000046;
	[dreg:$0x1] =	wrdreg $0xFFFFFFFF  }
0xa9: {  	s28 =	simm.s32 $_size_execute0_lowered;
	s5 =	sadd.s32 s5, s7;
	[dreg:$0x0] =	wrdreg $0x0  }
0xaa: {  	s7 =	sshll.u32 s28, $0x1;
	[dreg:$0x2] =	wrdreg s5  }
0xab: {  	[dreg:$0x3] =	wrdreg s7  }
0xac: {  	[dreg:$0x4] =	wrdreg $0xC0  }
0xad: {  	_ =	task [dreg:s9], $0x5FFFF  }
0xae: {  	[dreg:$0x1] =	wrdreg $0xFFFFFFFF  }
0xaf: {  	[dreg:$0x0] =	wrdreg $0x60  }
0xb0: {  	[dreg:$0x2] =	wrdreg s2  }
0xb1: {  	[dreg:$0x3] =	wrdreg s18  }
0xb2: {  	[dreg:$0x4] =	wrdreg s4  }
0xb3: {  	[dreg:$0x5] =	wrdreg s24  }
0xb4: {  	[dreg:$0x6] =	wrdreg $0x49800  }
0xb5: {  	[dreg:$0x7] =	wrdreg $0x9  }
0xb6: {  	_ =	task.clear_ibuf [dreg:s9], $0x8FFFF;
	_ =	strace $0x90000046  }
0xb7: {  	s29 =	simm.s32 $0x9;
	_ =	strace $0x80000048  }
0xb8: {  	_ =	swait.ge [sflag:s29], $0x1  }
0xb9: {  	[sflag:s29] =	ssyncadd.s32 $0xFFFFFFFF  }
0xba: {  	_ =	strace $0x90000048  }
0xbb: {  	_ =	sfence  }
0xbc: {  	s30 =	sld [smem:$0x0];
	_ =	sdelay $0x2  }
0xbd: {  	s31 =	sshll.u32 s1, $0xD;
	s1 =	sshrl.u32 s1, $0x2  }
0xbe: {  	s3 =	sand.u32 $0x4000, s31;
	s1 =	sadd.s32 s1, s30  }
0xbf: {  	s0 =	sor.u32 s3, s0;
	s1 =	sshll.u32 s1, $0x11  }
0xc0: {  	s0 =	sor.u32 s1, s0  }
0xc1: {  	s0 =	sadd.s32 $0x8F2B, s0  }
0xc2: {  	[sflag:s0] =	ssyncadd.remote.s32 $0x1  }
0xc3: {  	_ =	sfence.sel $0xFFFF  }
0xc4: {  	[dreg:$0x0] =	wrdreg $0xFFFFFFFF;
	(pc) =	sbr.abs _section_cstart, $3  }
0xc5: {  	[dreg:$0x1] =	wrdreg $0xFFFFFFFF  }
0xc6: {  	_ =	task.clear_ibuf [dreg:s9], $0x2FFFF;
	_ =	strace $0x9FFFFFFF  }
0xc7: {  	(tm) =	ssettm $0x7FFFFFFF  }
tec
execute0_lowered:
.L_overlay_start_1:
0x0: {  	(tag) =	ssettag $0x1  }
0x1: {  	s3 =	rddreg [dreg:$0x0]  }
0x2: {  	s4 =	rddreg [dreg:$0x1]  }
0x3: {  	s5 =	rddreg [dreg:$0x2]  }
0x4: {  	s6 =	rddreg [dreg:$0x3]  }
0x5: {  	s1 =	rddreg [dreg:$0x4]  }
0x6: {  	s0 =	rddreg [dreg:$0x5]  }
0x7: {  	s2 =	simm.s32 $0x0;
	s7 =	srdreg.scid;
	s10 =	stileid.u32  }
0x8: {  	s12 =	simm.s32 $0x0;
	[smem:$0x7FF] =	sst s2;
	s7 =	sand.u32 $0x1, s7  }
0x9: {  	s11 =	sshll.u32 s10, $0x7;
	p0 =	sne.s32 s10, $0x0;
	s10 =	simm.s32 $0x4080  }
0xa: {  	_ =	strace $0x80000047;
	s8 =	sshll.u32 s7, $0x8;
	s9 =	sshll.u32 s7, $0xB  }
0xb: {  	s7 =	ssub.s32 $0x2, s7;
	s6 =	sadd.s32 s8, s6;
	s30 =	sor.u32 s11, s9  }
0xc: {  	s31 =	sshrl.u32 s7, $0x1;
	s9 =	simm.s32 $0x2;
	s11 =	sshll.u32 s30, $0x4  }
0xd: {  	s8 =	sshrl.u32 s30, $0x3;
	s7 =	ssub.s32 s7, s31;
	s6 =	sadd.s32 $0xE00, s6  }
0xe: {  	s3 =	sadd.s32 s3, s11;
	s4 =	sadd.s32 s4, s8;
	s5 =	sadd.s32 s5, s8  }
0xf: {  	v0 =	vimm.f32 $0.0e+00;
	s7 =	smax.u32 s7, $0x1;
	s8 =	simm.s32 $0x4000;
	s11 =	sshrl.u32 @!p0 s1, $0x3  }
.LBB2_1:
0x10: {  	[tilespmem:s2], [sflag:$0x1] =	stream.linear.gather [hbm4b:s3+s2], $0x4000, $0x38;
	[tilespmem:$0x4A00] =	vst v63  }
0x11: {  	_ = 	snop  }
0x12: {  	[tilespmem:s8], [sflag:$0x2] =	stream.linear.gather [hbm4b:s4+s2], $0x80, $0x38;
	[tilespmem:$0x4A00] =	vst v63  }
0x13: {  	_ =	swait.ge [sflag:s9], $0x80  }
0x14: {  	[sflag:s9] =	ssyncset.done $0x0  }
0x15: {  	[sflag:s9] =	ssyncadd.s32 $0xFFFFFF80  }
0x16: {  	[tilespmem:s10], [sflag:$0x2] =	stream.linear.gather [hbm4b:s5+s2], $0x80, $0x38;
	[tilespmem:$0x4A00] =	vst v63  }
0x17: {  	_ =	swait.ge [sflag:s9], $0x80  }
0x18: {  	[sflag:s9] =	ssyncset.done $0x0  }
0x19: {  	s13 =	simm.s32 $0x0;
	s14 =	simm.s32 $0x200;
	[sflag:s9] =	ssyncadd.s32 $0xFFFFFF80  }
.LBB2_2:
0x1a: {  	p1 =	sne.s32 s14, $0x1E00;
	[tilespmem:s13+$0x41F0] =	vst v0  }
0x1b: {  	[tilespmem:s13+$0x4180] =	vst v0  }
0x1c: {  	[tilespmem:s13+$0x4190] =	vst v0  }
.Ltmp0:
0x1d: {  	[tilespmem:s13+$0x41A0] =	vst v0;
	(pc) =	sbr.rel @p1 .LBB2_2-.Ltmp0, $4  }
0x1e: {  	[tilespmem:s13+$0x41B0] =	vst v0  }
0x1f: {  	[tilespmem:s13+$0x41C0] =	vst v0  }
0x20: {  	[tilespmem:s13+$0x41D0] =	vst v0  }
0x21: {  	[tilespmem:s13+$0x41E0] =	vst v0;
	s13 =	sshra.s32 s14, $0x2;
	s14 =	sadd.s32 $0x200, s14  }
0x22: {  	[tilespmem:s13+$0x41F0] =	vst v0  }
0x23: {  	[tilespmem:s13+$0x4180] =	vst v0  }
0x24: {  	[tilespmem:s13+$0x4190] =	vst v0  }
0x25: {  	[tilespmem:s13+$0x41A0] =	vst v0  }
0x26: {  	[tilespmem:s13+$0x41B0] =	vst v0  }
0x27: {  	[tilespmem:s13+$0x41C0] =	vst v0  }
0x28: {  	[tilespmem:s13+$0x41D0] =	vst v0  }
0x29: {  	[tilespmem:s13+$0x41E0] =	vst v0  }
0x2a: {  	v1 =	vld [tilespmem:$0x4000]  }
0x2b: {  	v2 =	vld [tilespmem:$0x4080]  }
0x2c: {  	v3 =	vld [tilespmem:$0x4010]  }
0x2d: {  	v4 =	vld [tilespmem:$0x4090]  }
0x2e: {  	v5 =	vld [tilespmem:$0x4020]  }
0x2f: {  	v6 =	vld [tilespmem:$0x40A0]  }
0x30: {  	v7 =	vld [tilespmem:$0x4030]  }
0x31: {  	v8 =	vld [tilespmem:$0x40B0]  }
0x32: {  	v9 =	vld [tilespmem:$0x4040]  }
0x33: {  	v10 =	vld [tilespmem:$0x40C0]  }
0x34: {  	v11 =	vld [tilespmem:$0x4050]  }
0x35: {  	v12 =	vld [tilespmem:$0x40D0]  }
0x36: {  	v13 =	vld [tilespmem:$0x4060];
	v1 =	vshll.u32 v1, $0x3  }
0x37: {  	v62 =	vld [tilespmem:$0x4070];
	v1 =	vadd.s32 v2, v1;
	v2 =	vshll.u32 v3, $0x3  }
0x38: {  	v3 =	vld [tilespmem:$0x40E0];
	[tilespmem:$0x4100] =	vst v1;
	v1 =	vadd.s32 v4, v2;
	v2 =	vshll.u32 v5, $0x3  }
0x39: {  	v63 =	vld [tilespmem:$0x40F0];
	[tilespmem:$0x4110] =	vst v1;
	v1 =	vadd.s32 v6, v2;
	v2 =	vshll.u32 v7, $0x3  }
0x3a: {  	[tilespmem:$0x4120] =	vst v1;
	v1 =	vadd.s32 v8, v2;
	v2 =	vshll.u32 v9, $0x3  }
0x3b: {  	[tilespmem:$0x4130] =	vst v1;
	v1 =	vadd.s32 v10, v2;
	v2 =	vshll.u32 v11, $0x3  }
0x3c: {  	[tilespmem:$0x4140] =	vst v1;
	v1 =	vadd.s32 v12, v2;
	v2 =	vshll.u32 v13, $0x3  }
0x3d: {  	[tilespmem:$0x4150] =	vst v1;
	v1 =	vadd.s32 v3, v2;
	v2 =	vshll.u32 v62, $0x3  }
0x3e: {  	[tilespmem:$0x4160] =	vst v1;
	v1 =	vadd.s32 v63, v2  }
0x3f: {  	[tilespmem:$0x4170] =	vst v1  }
0x40: {  	s13 =	simm.s32 @p0 $0x1;
	[bflag:$0x0] =	sbarrier.arrive @p0 $0xFFFF  }
0x41: {  	_ =	swait.ge @p0 [sflag:s13], $0x4000  }
0x42: {  	s14 =	simm.s32 @p0 $0x4100;
	[sflag:s13] =	ssyncset.done @p0 $0x0  }
0x43: {  	s15 =	simm.s32 @p0 $0x0;
	[sflag:s13] =	ssyncadd.s32 @p0 $0xFFFFC000;
	s13 =	simm.s32 @p0 $0x80  }
0x44: {  	[spmem:s1] =	stream.indirect.scatter.add.f32 @p0 [tilespmem:s15], [sflag:$0x2], $0x80, s14, s13, $0xb8;
	[tilespmem:$0x4A00] =	vst v63  }
0x45: {  	s13 =	simm.s32 @p0 $0x2  }
0x46: {  	_ =	swait.ge @p0 [sflag:s13], $0x4000  }
0x47: {  	[sflag:s13] =	ssyncset.done @p0 $0x0  }
0x48: {  	[sflag:s13] =	ssyncadd.s32 @p0 $0xFFFFC000  }
0x49: {  	s13 =	simm.s32 @!p0 $0x4180;
	[bflag:$0x0] =	sbarrier.arrive @p0 $0xFFFF  }
0x4a: {  	[spmem:s1] =	stream.linear.scatter @!p0 [tilespmem:s13], [sflag:$0x2], $0x800, $0x38;
	[tilespmem:$0x4A00] =	vst v63  }
0x4b: {  	s13 =	simm.s32 @!p0 $0x2  }
0x4c: {  	_ =	swait.ge @!p0 [sflag:s13], $0x800  }
0x4d: {  	[sflag:s13] =	ssyncset.done @!p0 $0x0  }
0x4e: {  	[sflag:s13] =	ssyncadd.s32 @!p0 $0xFFFFF800  }
0x4f: {  	s14 =	simm.s32 @!p0 $0x1;
	[bflag:$0x0] =	sbarrier.arrive @!p0 $0xFFFF  }
0x50: {  	_ =	swait.ge @!p0 [sflag:s14], $0x4000  }
0x51: {  	s16 =	simm.s32 @!p0 $0x0;
	[sflag:s14] =	ssyncset.done @!p0 $0x0  }
0x52: {  	s15 =	simm.s32 @!p0 $0x4100;
	[sflag:s14] =	ssyncadd.s32 @!p0 $0xFFFFC000;
	s14 =	simm.s32 @!p0 $0x80  }
0x53: {  	[spmem:s1] =	stream.indirect.scatter.add.f32 @!p0 [tilespmem:s16], [sflag:$0x2], $0x80, s15, s14, $0xb8;
	[tilespmem:$0x4A00] =	vst v63  }
0x54: {  	_ =	swait.ge @!p0 [sflag:s13], $0x4000  }
0x55: {  	s12 =	sadd.s32 $0x1, s12;
	[sflag:s13] =	ssyncset.done @!p0 $0x0  }
0x56: {  	p1 =	sne.s32 s12, s7;
	[sflag:s13] =	ssyncadd.s32 @!p0 $0xFFFFC000  }
.Ltmp1:
0x57: {  	s14 =	simm.s32 @!p0 $0x1C02;
	[bflag:$0x0] =	sbarrier.arrive @!p0 $0xFFFF;
	(pc) =	sbr.rel @p1 .LBB2_1-.Ltmp1, $4  }
0x58: {  	[hbm:s6], [sflag:s14] =	dma.local @!p0 [spmem:s11], $0x100  }
0x59: {  	_ =	swait.ge @!p0 [sflag:s13], $0x100  }
0x5a: {  	[sflag:s13] =	ssyncset.done @!p0 $0x0  }
0x5b: {  	[sflag:s13] =	ssyncadd.s32 @!p0 $0xFFFFFF00  }
0x5c: {  	_ =	sfence.sel $0x180000  }
0x5d: {  	[bflag:$0x0] =	sbarrier.arrive $0xFFFF  }
0x5e: {  	_ =	strace $0x90000047  }
0x5f: {  	s0 =	sadd.s32 @!p0 $0x100000, s0;
	[bflag:$0x2] =	sbarrier.arrive $0xFFFF  }
0x60: {  	[sflag:s0] =	ssyncadd.tile.s32 @!p0 $0x1;
	_ =	shalt  }
.Lfunc_end2:
_tile_overlayer_lowered:
.L_overlay_start_2:
0x61: {  	(tag) =	ssettag $0x2  }
0x62: {  	s0 =	rddreg [dreg:$0x0];
	s2 =	stileid.u32  }
0x63: {  	s1 =	rddreg [dreg:$0x1];
	p0 =	sne.s32 s2, $0x0  }
0x64: {  	s3 =	rddreg [dreg:$0x2];
	[bflag:$0x3] =	sbarrier.arrive $0xFFFF;
	s2 =	simm.s32 @!p0 $0x1C02  }
0x65: {  	[timem:s3], [sflag:s2] =	dma.local @!p0 [hbm:s0], s1  }
0x66: {  	s0 =	simm.s32 @!p0 $0x2  }
0x67: {  	_ =	swait.ge @!p0 [sflag:s0], s1  }
0x68: {  	s1 =	ssub.s32 @!p0 $0x0, s1;
	[sflag:s0] =	ssyncset.done @!p0 $0x0  }
0x69: {  	[sflag:s0] =	ssyncadd.s32 @!p0 s1  }
0x6a: {  	[bflag:$0x3] =	sbarrier.arrive $0xFFFF  }
0x6b: {  	_ =	shalt  }

</sc_bundles>
